<compile_context>
chip_gen: v7x
topology: tpu7x:2x2x1
jax: 0.10.2.dev20260603
libtpu: 0.0.44.dev20260713+nightly
codegen_flags: <defaults>
</compile_context>

<pallas_src>
import functools

import jax
import jax.numpy as jnp
from jax import lax
from jax.experimental import pallas as pl
from jax.experimental.pallas import tpu as pltpu
from jax.experimental.pallas import tpu_sc as plsc

N_NODES = 10000
N_EDGES = 320000
D = 128
HID = 128
EAD = 16

BR = 1000
SLOTS = 8


def _edge_mlp_body(attr2_ref, w1b_ref, b1_ref, w2_ref, b2_ref, wl_ref,
                   bl_ref, out_ref):
  attr2 = attr2_ref[...]
  a2 = jnp.dot(attr2, w1b_ref[...], preferred_element_type=jnp.float32)
  for j in range(SLOTS):
    h = jnp.maximum(a2[:, j * HID:(j + 1) * HID] + b1_ref[...], 0.0)
    e = jnp.dot(h, w2_ref[...], preferred_element_type=jnp.float32)
    pol = jnp.clip(attr2[:, j * EAD:j * EAD + 1], 0.0, 1.0) + 0.01
    g = (e + b2_ref[...]) * pol
    o = jnp.dot(g, wl_ref[...], preferred_element_type=jnp.float32)
    out_ref[j] = o + bl_ref[...]


def _edge_mlp(attr2, w1b, b1, w2, b2, wlin, blin):
  n_blk = N_EDGES // (SLOTS * BR)
  wspec = lambda shape: pl.BlockSpec(shape, lambda i: (0, 0))
  return pl.pallas_call(
      _edge_mlp_body,
      grid=(n_blk,),
      in_specs=[
          pl.BlockSpec((BR, SLOTS * EAD), lambda i: (i, 0)),
          wspec((SLOTS * EAD, SLOTS * HID)),
          wspec((1, HID)),
          wspec((HID, HID)),
          wspec((1, HID)),
          wspec((HID, D)),
          wspec((1, D)),
      ],
      out_specs=pl.BlockSpec((SLOTS, BR, D), lambda i: (0, i, 0)),
      out_shape=jax.ShapeDtypeStruct(
          (SLOTS, N_EDGES // SLOTS, D), jnp.float32),
  )(attr2, w1b, b1, w2, b2, wlin, blin)


_INFO = plsc.get_sparse_core_info()
NC = _INFO.num_cores
NS = _INFO.num_subcores
EPS = N_EDGES // (NC * NS)
KB = 80
NB = EPS // KB
NPAD = 10240
RPS = NPAD // NS


def _sc_body(xpad_hbm, src_hbm, dst_hbm, ea_hbm, zeros_hbm, out_hbm,
             si, di, dsc, eb, xg,
             s1, s2, se, sg, ss, agg_sh):
  c = lax.axis_index("c")
  s = lax.axis_index("s")
  base = (c * NS + s) * EPS

  pltpu.sync_copy(zeros_hbm.at[pl.ds(s * RPS, RPS)],
                  agg_sh.at[pl.ds(s * RPS, RPS)])
  plsc.subcore_barrier()

  def start_in(b, k):
    l = base + b * KB
    pltpu.async_copy(src_hbm.at[pl.ds(l, KB)], si[k], s1[k])
    pltpu.async_copy(dst_hbm.at[pl.ds(l, KB)], di[k], s2[k])
    pltpu.async_copy(ea_hbm.at[pl.ds(l, KB)], eb[k], se[k])

  def step_g(b, k):
    @pl.when(b >= 2)
    def _():
      pltpu.make_async_copy(xg[k], agg_sh.at[dsc[k]], ss[k]).wait()

    pltpu.make_async_copy(src_hbm.at[pl.ds(0, KB)], si[k], s1[k]).wait()
    pltpu.make_async_copy(dst_hbm.at[pl.ds(0, KB)], di[k], s2[k]).wait()
    pltpu.make_async_copy(ea_hbm.at[pl.ds(0, KB)], eb[k], se[k]).wait()
    pltpu.async_copy(xpad_hbm.at[si[k]], xg[k], sg[k])

  def step_c(b, k):
    pltpu.make_async_copy(xpad_hbm.at[si[k]], xg[k], sg[k]).wait()
    xb, ebuf = xg[k], eb[k]

    @plsc.parallel_loop(0, KB, unroll=4)
    def _(i):
      for q in range(D // 16):
        a = xb[i, pl.ds(q * 16, 16)]
        v = ebuf[i, pl.ds(q * 16, 16)]
        xb[i, pl.ds(q * 16, 16)] = jnp.maximum(a + v, 0.0)

    @plsc.parallel_loop(0, KB // 16, unroll=2)
    def _(i):
      dsc[k][pl.ds(i * 16, 16)] = di[k][pl.ds(i * 16, 16)]

    pltpu.async_copy(xb, agg_sh.at[dsc[k]], ss[k], add=True)

    @pl.when(b + 2 < NB)
    def _():
      start_in(b + 2, k)

  start_in(0, 0)
  start_in(1, 1)

  def pair(i, carry):
    step_g(2 * i, 0)

    @pl.when(i > 0)
    def _():
      step_c(2 * i - 1, 1)

    @pl.when(2 * i + 1 < NB)
    def _():
      step_g(2 * i + 1, 1)

    step_c(2 * i, 0)
    return carry

  lax.fori_loop(0, (NB + 1) // 2, pair, 0)
  if NB % 2 == 0:
    step_c(NB - 1, 1)

  pltpu.make_async_copy(xg[0], agg_sh.at[dsc[0]], ss[0]).wait()
  pltpu.make_async_copy(xg[1], agg_sh.at[dsc[1]], ss[1]).wait()

  plsc.subcore_barrier()
  pltpu.sync_copy(agg_sh.at[pl.ds(s * RPS, RPS)],
                  out_hbm.at[c].at[pl.ds(s * RPS, RPS)])


def _sc_aggregate(xpad, src, dst, ea, zeros):
  mesh = plsc.VectorSubcoreMesh(core_axis_name="c", subcore_axis_name="s")
  f = pl.kernel(
      _sc_body,
      out_type=jax.ShapeDtypeStruct((NC, NPAD, D), jnp.float32),
      mesh=mesh,
      scratch_types=[
          [pltpu.VMEM((KB,), jnp.int32)] * 2,
          [pltpu.VMEM((KB,), jnp.int32)] * 2,
          [pltpu.VMEM((KB,), jnp.int32)] * 2,
          [pltpu.VMEM((KB, D), jnp.float32)] * 2,
          [pltpu.VMEM((KB, D), jnp.float32)] * 2,
          [pltpu.SemaphoreType.DMA] * 2,
          [pltpu.SemaphoreType.DMA] * 2,
          [pltpu.SemaphoreType.DMA] * 2,
          [pltpu.SemaphoreType.DMA] * 2,
          [pltpu.SemaphoreType.DMA] * 2,
          pltpu.VMEM_SHARED((NPAD, D), jnp.float32),
      ],
  )
  return f(xpad, src, dst, ea, zeros)


BN = 2000


def _node_mlp_body(p_ref, x_ref, wa_ref, ba_ref, g_ref, bt_ref, wb_ref,
                   bb_ref, out_ref):
  out = p_ref[0] + p_ref[1] + x_ref[...]
  h2 = jnp.dot(out, wa_ref[...], preferred_element_type=jnp.float32)
  h2 = h2 + ba_ref[...]
  mu = jnp.mean(h2, axis=-1, keepdims=True)
  d = h2 - mu
  var = jnp.mean(d * d, axis=-1, keepdims=True)
  h2 = d * lax.rsqrt(var + 1e-5) * g_ref[...] + bt_ref[...]
  h2 = jnp.maximum(h2, 0.0)
  o = jnp.dot(h2, wb_ref[...], preferred_element_type=jnp.float32)
  out_ref[...] = o + bb_ref[...]


def _node_mlp(partials, x, wa, ba, ln_g, ln_b, wb, bb):
  n_blk = N_NODES // BN
  wspec = lambda shape: pl.BlockSpec(shape, lambda i: (0, 0))
  return pl.pallas_call(
      _node_mlp_body,
      grid=(n_blk,),
      in_specs=[
          pl.BlockSpec((NC, BN, D), lambda i: (0, i, 0)),
          pl.BlockSpec((BN, D), lambda i: (i, 0)),
          wspec((D, D)),
          wspec((1, D)),
          wspec((1, D)),
          wspec((1, D)),
          wspec((D, D)),
          wspec((1, D)),
      ],
      out_specs=pl.BlockSpec((BN, D), lambda i: (i, 0)),
      out_shape=jax.ShapeDtypeStruct((N_NODES, D), jnp.float32),
  )(partials, x, wa, ba, ln_g, ln_b, wb, bb)


def kernel(x, edge_index, edge_attr, W1, b1, W2, b2, Wlin, blin, Wa, ba,
           ln_g, ln_b, Wb, bb):
  w1p = jnp.concatenate([jnp.zeros((1, HID), jnp.float32), W1], axis=0)
  w1b = jax.scipy.linalg.block_diag(*([w1p] * SLOTS))
  attr2 = edge_attr.reshape(N_EDGES // SLOTS, SLOTS * EAD)
  ea = _edge_mlp(attr2, w1b, b1[None, :], W2, b2[None, :], Wlin,
                 blin[None, :]).reshape(N_EDGES, D)
  ei = (edge_index.reshape(2, N_EDGES // SLOTS, SLOTS)
        .transpose(0, 2, 1).reshape(2, N_EDGES))
  xpad = jnp.pad(x, ((0, NPAD - N_NODES), (0, 0)))
  zeros = jnp.zeros((NPAD, D), jnp.float32)
  partials = _sc_aggregate(xpad, ei[0], ei[1], ea, zeros)
  return _node_mlp(partials[:, :N_NODES], x, Wa, ba[None, :], ln_g[None, :],
                   ln_b[None, :], Wb, bb[None, :])

# --- scband reference (transcript-rebuilt; emitter-appended) ---
"""Pipeline reference for scband-polarity-aware-conv-83571473646104 (READ-ONLY COPY).

The authoritative reference and input builder live on the scoring server;
editing this copy changes nothing except your own understanding.
"""

import jax, jax.numpy as jnp
import numpy as np

N = 10000
E = 320000
D = 128
HID = 128
EAD = 16
FEAT = EAD - 1


def _linear_init(key, fan_in, fan_out):
    k1, k2 = jax.random.split(key)
    bound = 1.0 / np.sqrt(fan_in)
    W = jax.random.uniform(k1, (fan_in, fan_out), minval=-bound, maxval=bound, dtype=jnp.float32)
    b = jax.random.uniform(k2, (fan_out,), minval=-bound, maxval=bound, dtype=jnp.float32)
    return W, b


def setup_inputs(seed: int = 0):
    key = jax.random.key(seed)
    ks = jax.random.split(key, 9)
    x = jax.random.normal(ks[0], (N, D), dtype=jnp.float32)
    edge_index = jax.random.randint(ks[1], (2, E), 0, N, dtype=jnp.int32)
    edge_attr = jax.random.uniform(ks[2], (E, EAD), dtype=jnp.float32)
    W1, b1 = _linear_init(ks[3], FEAT, HID)      # edge_mlp layer 1
    W2, b2 = _linear_init(ks[4], HID, HID)       # edge_mlp layer 2
    Wlin, blin = _linear_init(ks[5], HID, D)     # GINEConv.lin (edge_dim -> in_channels)
    Wa, ba = _linear_init(ks[6], D, D)           # gine nn layer 1
    ln_g = jnp.ones((D,), jnp.float32)
    ln_b = jnp.zeros((D,), jnp.float32)
    Wb, bb = _linear_init(ks[7], D, D)           # gine nn layer 2
    return {"x": x, "edge_index": edge_index, "edge_attr": edge_attr,
            "W1": W1, "b1": b1, "W2": W2, "b2": b2,
            "Wlin": Wlin, "blin": blin,
            "Wa": Wa, "ba": ba, "ln_g": ln_g, "ln_b": ln_b,
            "Wb": Wb, "bb": bb}


def reference(x, edge_index, edge_attr, W1, b1, W2, b2, Wlin, blin, Wa, ba, ln_g, ln_b, Wb, bb):
    # PolarityAwareConv.forward (eval mode: Dropout = identity)
    polarity = jnp.clip(edge_attr[:, 0:1], 0.0, 1.0)
    raw = edge_attr[:, 1:]
    h = jax.nn.relu(raw @ W1 + b1)
    e = h @ W2 + b2
    gated = e * (polarity + 0.01)
    # indices generated in [0, N) so the out-of-range filtering branch is a no-op
    src = edge_index[0]
    dst = edge_index[1]
    # GINEConv (eps=0, aggr='add'): message = relu(x_j + lin(edge_attr)), then nn(out + (1+eps)*x)
    ea = gated @ Wlin + blin
    m = jax.nn.relu(x[src] + ea)
    agg = jax.ops.segment_sum(m, dst, num_segments=x.shape[0])
    out = agg + (1.0 + 0.0) * x
    h2 = out @ Wa + ba
    mu = jnp.mean(h2, axis=-1, keepdims=True)
    var = jnp.var(h2, axis=-1, keepdims=True)
    h2 = (h2 - mu) / jnp.sqrt(var + 1e-5) * ln_g + ln_b
    h2 = jax.nn.relu(h2)
    return h2 @ Wb + bb

if __name__ == "__main__":
    import jax
    _d = setup_inputs()
    print(jax.jit(kernel)(*tuple(_d.values())))

</pallas_src>

<mosaic_0001>
#map = affine_map<(d0, d1) -> (0, 0)>
#map1 = affine_map<(d0, d1) -> (0)>
#map2 = affine_map<(d0, d1) -> (0, 0, 0)>
module attributes {stable_mosaic.version = 14 : i64} {
  func.func @_sc_body(%arg0: i32, %arg1: i32, %arg2: memref<10240x128xf32, #tpu.memory_space<hbm>>, %arg3: memref<320000xi32, #tpu.memory_space<hbm>>, %arg4: memref<320000xi32, #tpu.memory_space<hbm>>, %arg5: memref<320000x128xf32, #tpu.memory_space<hbm>>, %arg6: memref<10240x128xf32, #tpu.memory_space<hbm>>, %arg7: memref<2x10240x128xf32, #tpu.memory_space<hbm>>, %arg8: memref<80xi32, #tpu.memory_space<vmem>>, %arg9: memref<80xi32, #tpu.memory_space<vmem>>, %arg10: memref<80xi32, #tpu.memory_space<vmem>>, %arg11: memref<80xi32, #tpu.memory_space<vmem>>, %arg12: memref<80xi32, #tpu.memory_space<vmem>>, %arg13: memref<80xi32, #tpu.memory_space<vmem>>, %arg14: memref<80x128xf32, #tpu.memory_space<vmem>>, %arg15: memref<80x128xf32, #tpu.memory_space<vmem>>, %arg16: memref<80x128xf32, #tpu.memory_space<vmem>>, %arg17: memref<80x128xf32, #tpu.memory_space<vmem>>, %arg18: memref<!tpu.dma_semaphore, #tpu.memory_space<semaphore_mem>>, %arg19: memref<!tpu.dma_semaphore, #tpu.memory_space<semaphore_mem>>, %arg20: memref<!tpu.dma_semaphore, #tpu.memory_space<semaphore_mem>>, %arg21: memref<!tpu.dma_semaphore, #tpu.memory_space<semaphore_mem>>, %arg22: memref<!tpu.dma_semaphore, #tpu.memory_space<semaphore_mem>>, %arg23: memref<!tpu.dma_semaphore, #tpu.memory_space<semaphore_mem>>, %arg24: memref<!tpu.dma_semaphore, #tpu.memory_space<semaphore_mem>>, %arg25: memref<!tpu.dma_semaphore, #tpu.memory_space<semaphore_mem>>, %arg26: memref<!tpu.dma_semaphore, #tpu.memory_space<semaphore_mem>>, %arg27: memref<!tpu.dma_semaphore, #tpu.memory_space<semaphore_mem>>, %arg28: memref<10240x128xf32, #tpu.memory_space<vmem_shared>>) attributes {dimension_semantics = [#tpu.dimension_semantics<core_parallel>, #tpu.dimension_semantics<subcore_parallel>], iteration_bounds = array<i64: 2, 16>, scalar_prefetch = 0 : i64, scratch_operands = 21 : i64, tpu.core_type = #tpu.core_type<sc_vector_subcore>, window_params = [{transform_indices = #map}, {transform_indices = #map1}, {transform_indices = #map1}, {transform_indices = #map}, {transform_indices = #map}, {transform_indices = #map2}]} {
    %mul3A = arith.constant 16 : i32
    %mul3A_0 = arith.muli %arg0, %mul3A : i32
    %add3A = arith.addi %mul3A_0, %arg1 : i32
    %mul3A_1 = arith.constant 10000 : i32
    %mul3A_2 = arith.muli %add3A, %mul3A_1 : i32
    %mul3A_3 = arith.constant 640 : i32
    %mul3A_4 = arith.muli %arg1, %mul3A_3 : i32
    %mul3A_5 = arith.constant 640 : i32
    %mul3A_6 = arith.muli %arg1, %mul3A_5 : i32
    "tpu.region"() ({
      %run_scoped3A = tpu.sem_alloc : memref<!tpu.dma_semaphore, #tpu.memory_space<semaphore_mem>>
      %dma_start3A_41 = arith.constant 0 : i32
      %dma_start3A_42 = tpu.memref_slice %arg28[%mul3A_6, %dma_start3A_41] : memref<10240x128xf32, #tpu.memory_space<vmem_shared>> -> memref<640x128xf32, #tpu.memory_space<vmem_shared>>
      %dma_start3A_43 = arith.constant 0 : i32
      %dma_start3A_44 = tpu.memref_slice %arg6[%mul3A_4, %dma_start3A_43] : memref<10240x128xf32, #tpu.memory_space<hbm>> -> memref<640x128xf32, #tpu.memory_space<hbm>>
      tpu.enqueue_dma source(%dma_start3A_44 : memref<640x128xf32, #tpu.memory_space<hbm>>) target(%dma_start3A_42 : memref<640x128xf32, #tpu.memory_space<vmem_shared>>) target_semaphore(%run_scoped3A : memref<!tpu.dma_semaphore, #tpu.memory_space<semaphore_mem>>)
      %dma_wait3A_45 = arith.constant 0 : i32
      %dma_wait3A_46 = tpu.memref_slice %arg28[%mul3A_6, %dma_wait3A_45] : memref<10240x128xf32, #tpu.memory_space<vmem_shared>> -> memref<640x128xf32, #tpu.memory_space<vmem_shared>>
      %dma_wait3A_47 = arith.constant 0 : i32
      %dma_wait3A_48 = tpu.memref_slice %arg6[%mul3A_4, %dma_wait3A_47] : memref<10240x128xf32, #tpu.memory_space<hbm>> -> memref<640x128xf32, #tpu.memory_space<hbm>>
      tpu.wait_dma2 semaphore(%run_scoped3A : memref<!tpu.dma_semaphore, #tpu.memory_space<semaphore_mem>>) src(%dma_wait3A_48 : memref<640x128xf32, #tpu.memory_space<hbm>>) dst(%dma_wait3A_46 : memref<640x128xf32, #tpu.memory_space<vmem_shared>>)
      tpu.yield
    }) : () -> ()
    %barrier3A = arith.constant 0 : index
    tpu.barrier barrier_id(%barrier3A)
    %add3A_7 = arith.constant 0 : i32
    %add3A_8 = arith.addi %mul3A_2, %add3A_7 : i32
    %dma_start3A = tpu.memref_slice %arg3[%add3A_8] : memref<320000xi32, #tpu.memory_space<hbm>> -> memref<80xi32, #tpu.memory_space<hbm>>
    %dma_start3A_9 = tpu.memref_slice %arg3[%add3A_8] : memref<320000xi32, #tpu.memory_space<hbm>> -> memref<80xi32, #tpu.memory_space<hbm>>
    tpu.enqueue_dma source(%dma_start3A_9 : memref<80xi32, #tpu.memory_space<hbm>>) target(%arg8 : memref<80xi32, #tpu.memory_space<vmem>>) target_semaphore(%arg18 : memref<!tpu.dma_semaphore, #tpu.memory_space<semaphore_mem>>)
    %dma_start3A_10 = tpu.memref_slice %arg4[%add3A_8] : memref<320000xi32, #tpu.memory_space<hbm>> -> memref<80xi32, #tpu.memory_space<hbm>>
    %dma_start3A_11 = tpu.memref_slice %arg4[%add3A_8] : memref<320000xi32, #tpu.memory_space<hbm>> -> memref<80xi32, #tpu.memory_space<hbm>>
    tpu.enqueue_dma source(%dma_start3A_11 : memref<80xi32, #tpu.memory_space<hbm>>) target(%arg10 : memref<80xi32, #tpu.memory_space<vmem>>) target_semaphore(%arg20 : memref<!tpu.dma_semaphore, #tpu.memory_space<semaphore_mem>>)
    %dma_start3A_12 = arith.constant 0 : i32
    %dma_start3A_13 = tpu.memref_slice %arg5[%add3A_8, %dma_start3A_12] : memref<320000x128xf32, #tpu.memory_space<hbm>> -> memref<80x128xf32, #tpu.memory_space<hbm>>
    %dma_start3A_14 = arith.constant 0 : i32
    %dma_start3A_15 = tpu.memref_slice %arg5[%add3A_8, %dma_start3A_14] : memref<320000x128xf32, #tpu.memory_space<hbm>> -> memref<80x128xf32, #tpu.memory_space<hbm>>
    tpu.enqueue_dma source(%dma_start3A_15 : memref<80x128xf32, #tpu.memory_space<hbm>>) target(%arg14 : memref<80x128xf32, #tpu.memory_space<vmem>>) target_semaphore(%arg22 : memref<!tpu.dma_semaphore, #tpu.memory_space<semaphore_mem>>)
    %add3A_16 = arith.constant 80 : i32
    %add3A_17 = arith.addi %mul3A_2, %add3A_16 : i32
    %dma_start3A_18 = tpu.memref_slice %arg3[%add3A_17] : memref<320000xi32, #tpu.memory_space<hbm>> -> memref<80xi32, #tpu.memory_space<hbm>>
    %dma_start3A_19 = tpu.memref_slice %arg3[%add3A_17] : memref<320000xi32, #tpu.memory_space<hbm>> -> memref<80xi32, #tpu.memory_space<hbm>>
    tpu.enqueue_dma source(%dma_start3A_19 : memref<80xi32, #tpu.memory_space<hbm>>) target(%arg9 : memref<80xi32, #tpu.memory_space<vmem>>) target_semaphore(%arg19 : memref<!tpu.dma_semaphore, #tpu.memory_space<semaphore_mem>>)
    %dma_start3A_20 = tpu.memref_slice %arg4[%add3A_17] : memref<320000xi32, #tpu.memory_space<hbm>> -> memref<80xi32, #tpu.memory_space<hbm>>
    %dma_start3A_21 = tpu.memref_slice %arg4[%add3A_17] : memref<320000xi32, #tpu.memory_space<hbm>> -> memref<80xi32, #tpu.memory_space<hbm>>
    tpu.enqueue_dma source(%dma_start3A_21 : memref<80xi32, #tpu.memory_space<hbm>>) target(%arg11 : memref<80xi32, #tpu.memory_space<vmem>>) target_semaphore(%arg21 : memref<!tpu.dma_semaphore, #tpu.memory_space<semaphore_mem>>)
    %dma_start3A_22 = arith.constant 0 : i32
    %dma_start3A_23 = tpu.memref_slice %arg5[%add3A_17, %dma_start3A_22] : memref<320000x128xf32, #tpu.memory_space<hbm>> -> memref<80x128xf32, #tpu.memory_space<hbm>>
    %dma_start3A_24 = arith.constant 0 : i32
    %dma_start3A_25 = tpu.memref_slice %arg5[%add3A_17, %dma_start3A_24] : memref<320000x128xf32, #tpu.memory_space<hbm>> -> memref<80x128xf32, #tpu.memory_space<hbm>>
    tpu.enqueue_dma source(%dma_start3A_25 : memref<80x128xf32, #tpu.memory_space<hbm>>) target(%arg15 : memref<80x128xf32, #tpu.memory_space<vmem>>) target_semaphore(%arg23 : memref<!tpu.dma_semaphore, #tpu.memory_space<semaphore_mem>>)
    %scan3A = arith.constant 0 : i32
    %scan3A_26 = arith.constant 0 : i32
    %scan3A_27 = arith.constant 63 : i32
    %scan3A_28 = arith.addi %scan3A_26, %scan3A_27 : i32
    %scan3A_29 = arith.constant 1 : i32
    scf.for %scan3A_41 = %scan3A_26 to %scan3A_28 step %scan3A_29  : i32 {
      %mul3A_42 = arith.constant 2 : i32
      %mul3A_43 = arith.muli %mul3A_42, %scan3A_41 : i32
      %ge3A = arith.constant 2 : i32
      %ge3A_44 = arith.cmpi sge, %mul3A_43, %ge3A : i32
      %convert_element_type3A = arith.extui %ge3A_44 : i1 to i32
      %cond3A = arith.constant 0 : i32
      %cond3A_45 = arith.cmpi ne, %convert_element_type3A, %cond3A : i32
      scf.if %cond3A_45 {
        %dma_wait3A_95 = arith.constant 0 : i32
        %dma_wait3A_96 = arith.constant 0 : i32
        %dma_wait3A_97 = tpu.memref_slice %arg28[%dma_wait3A_95, %dma_wait3A_96] : memref<10240x128xf32, #tpu.memory_space<vmem_shared>> -> memref<10240x128xf32, #tpu.memory_space<vmem_shared>>
        tpu.wait_indirect_dma semaphore(%arg26 : memref<!tpu.dma_semaphore, #tpu.memory_space<semaphore_mem>>) src(%arg16 : memref<80x128xf32, #tpu.memory_space<vmem>>) dst(%dma_wait3A_97 : memref<10240x128xf32, #tpu.memory_space<vmem_shared>>)
      } else {
      }
      %dma_wait3A_46 = arith.constant 0 : i32
      %dma_wait3A_47 = tpu.memref_slice %arg3[%dma_wait3A_46] : memref<320000xi32, #tpu.memory_space<hbm>> -> memref<80xi32, #tpu.memory_space<hbm>>
      %dma_wait3A_48 = arith.constant 0 : i32
      %dma_wait3A_49 = tpu.memref_slice %arg3[%dma_wait3A_48] : memref<320000xi32, #tpu.memory_space<hbm>> -> memref<80xi32, #tpu.memory_space<hbm>>
      tpu.wait_dma2 semaphore(%arg18 : memref<!tpu.dma_semaphore, #tpu.memory_space<semaphore_mem>>) src(%dma_wait3A_49 : memref<80xi32, #tpu.memory_space<hbm>>) dst(%arg8 : memref<80xi32, #tpu.memory_space<vmem>>)
      %dma_wait3A_50 = arith.constant 0 : i32
      %dma_wait3A_51 = tpu.memref_slice %arg4[%dma_wait3A_50] : memref<320000xi32, #tpu.memory_space<hbm>> -> memref<80xi32, #tpu.memory_space<hbm>>
      %dma_wait3A_52 = arith.constant 0 : i32
      %dma_wait3A_53 = tpu.memref_slice %arg4[%dma_wait3A_52] : memref<320000xi32, #tpu.memory_space<hbm>> -> memref<80xi32, #tpu.memory_space<hbm>>
      tpu.wait_dma2 semaphore(%arg20 : memref<!tpu.dma_semaphore, #tpu.memory_space<semaphore_mem>>) src(%dma_wait3A_53 : memref<80xi32, #tpu.memory_space<hbm>>) dst(%arg10 : memref<80xi32, #tpu.memory_space<vmem>>)
      %dma_wait3A_54 = arith.constant 0 : i32
      %dma_wait3A_55 = arith.constant 0 : i32
      %dma_wait3A_56 = tpu.memref_slice %arg5[%dma_wait3A_54, %dma_wait3A_55] : memref<320000x128xf32, #tpu.memory_space<hbm>> -> memref<80x128xf32, #tpu.memory_space<hbm>>
      %dma_wait3A_57 = arith.constant 0 : i32
      %dma_wait3A_58 = arith.constant 0 : i32
      %dma_wait3A_59 = tpu.memref_slice %arg5[%dma_wait3A_57, %dma_wait3A_58] : memref<320000x128xf32, #tpu.memory_space<hbm>> -> memref<80x128xf32, #tpu.memory_space<hbm>>
      tpu.wait_dma2 semaphore(%arg22 : memref<!tpu.dma_semaphore, #tpu.memory_space<semaphore_mem>>) src(%dma_wait3A_59 : memref<80x128xf32, #tpu.memory_space<hbm>>) dst(%arg14 : memref<80x128xf32, #tpu.memory_space<vmem>>)
      %dma_start3A_60 = arith.constant 0 : i32
      %dma_start3A_61 = arith.constant 0 : i32
      %dma_start3A_62 = tpu.memref_slice %arg2[%dma_start3A_60, %dma_start3A_61] : memref<10240x128xf32, #tpu.memory_space<hbm>> -> memref<10240x128xf32, #tpu.memory_space<hbm>>
      tpu.enqueue_indirect_dma source(%dma_start3A_62 : memref<10240x128xf32, #tpu.memory_space<hbm>>) target(%arg16 : memref<80x128xf32, #tpu.memory_space<vmem>>) offsets(%arg8 : memref<80xi32, #tpu.memory_space<vmem>>) semaphore(%arg24 : memref<!tpu.dma_semaphore, #tpu.memory_space<semaphore_mem>>)
      %gt3A = arith.constant 0 : i32
      %gt3A_63 = arith.cmpi sgt, %scan3A_41, %gt3A : i32
      %convert_element_type3A_64 = arith.extui %gt3A_63 : i1 to i32
      %cond3A_65 = arith.constant 0 : i32
      %cond3A_66 = arith.cmpi ne, %convert_element_type3A_64, %cond3A_65 : i32
      scf.if %cond3A_66 {
        %mul3A_95 = arith.constant 2 : i32
        %mul3A_96 = arith.muli %mul3A_95, %scan3A_41 : i32
        %sub3A = arith.constant 1 : i32
        %sub3A_97 = arith.subi %mul3A_96, %sub3A : i32
        %dma_wait3A_98 = arith.constant 0 : i32
        %dma_wait3A_99 = arith.constant 0 : i32
        %dma_wait3A_100 = tpu.memref_slice %arg2[%dma_wait3A_98, %dma_wait3A_99] : memref<10240x128xf32, #tpu.memory_space<hbm>> -> memref<10240x128xf32, #tpu.memory_space<hbm>>
        tpu.wait_indirect_dma semaphore(%arg25 : memref<!tpu.dma_semaphore, #tpu.memory_space<semaphore_mem>>) src(%dma_wait3A_100 : memref<10240x128xf32, #tpu.memory_space<hbm>>) dst(%arg17 : memref<80x128xf32, #tpu.memory_space<vmem>>)
        %parallel_loop3A_101 = arith.constant 0 : i32
        %parallel_loop3A_102 = arith.constant 80 : i32
        %parallel_loop3A_103 = arith.constant 1 : i32
        scf.for %parallel_loop3A_117 = %parallel_loop3A_101 to %parallel_loop3A_102 step %parallel_loop3A_103  : i32 {
          %parallel_loop3A_118 = arith.index_cast %parallel_loop3A_117 : i32 to index
          %parallel_loop3A_119 = arith.constant 0 : index
          %parallel_loop3A_120 = tpu.vector_load %arg17[%parallel_loop3A_118, %parallel_loop3A_119] {strides = array<i32>} : memref<80x128xf32, #tpu.memory_space<vmem>>, vector<1x16xf32>,
          %parallel_loop3A_121 = vector.shape_cast %parallel_loop3A_120 : vector<1x16xf32> to vector<16xf32>
          %parallel_loop3A_122 = arith.index_cast %parallel_loop3A_117 : i32 to index
          %parallel_loop3A_123 = arith.constant 0 : index
          %parallel_loop3A_124 = tpu.vector_load %arg15[%parallel_loop3A_122, %parallel_loop3A_123] {strides = array<i32>} : memref<80x128xf32, #tpu.memory_space<vmem>>, vector<1x16xf32>,
          %parallel_loop3A_125 = vector.shape_cast %parallel_loop3A_124 : vector<1x16xf32> to vector<16xf32>
          %parallel_loop3A_126 = arith.addf %parallel_loop3A_121, %parallel_loop3A_125 : vector<16xf32>
          %parallel_loop3A_127 = arith.constant 0.000000e+00 : f32
          %parallel_loop3A_128 = vector.broadcast %parallel_loop3A_127 : f32 to vector<16xf32>
          %parallel_loop3A_129 = arith.maximumf %parallel_loop3A_126, %parallel_loop3A_128 : vector<16xf32>
          %parallel_loop3A_130 = arith.index_cast %parallel_loop3A_117 : i32 to index
          %parallel_loop3A_131 = arith.constant 0 : index
          %parallel_loop3A_132 = tpu.vector_load %arg17[%parallel_loop3A_130, %parallel_loop3A_131] {strides = array<i32>} : memref<80x128xf32, #tpu.memory_space<vmem>>, vector<1x16xf32>,
          %parallel_loop3A_133 = vector.shape_cast %parallel_loop3A_132 : vector<1x16xf32> to vector<16xf32>
          %parallel_loop3A_134 = vector.shape_cast %parallel_loop3A_129 : vector<16xf32> to vector<1x16xf32>
          tpu.vector_store %arg17[%parallel_loop3A_130, %parallel_loop3A_131], %parallel_loop3A_134 {strides = array<i32>} : memref<80x128xf32, #tpu.memory_space<vmem>>, vector<1x16xf32>,
          %parallel_loop3A_135 = arith.index_cast %parallel_loop3A_117 : i32 to index
          %parallel_loop3A_136 = arith.constant 16 : index
          %parallel_loop3A_137 = tpu.vector_load %arg17[%parallel_loop3A_135, %parallel_loop3A_136] {strides = array<i32>} : memref<80x128xf32, #tpu.memory_space<vmem>>, vector<1x16xf32>,
          %parallel_loop3A_138 = vector.shape_cast %parallel_loop3A_137 : vector<1x16xf32> to vector<16xf32>
          %parallel_loop3A_139 = arith.index_cast %parallel_loop3A_117 : i32 to index
          %parallel_loop3A_140 = arith.constant 16 : index
          %parallel_loop3A_141 = tpu.vector_load %arg15[%parallel_loop3A_139, %parallel_loop3A_140] {strides = array<i32>} : memref<80x128xf32, #tpu.memory_space<vmem>>, vector<1x16xf32>,
          %parallel_loop3A_142 = vector.shape_cast %parallel_loop3A_141 : vector<1x16xf32> to vector<16xf32>
          %parallel_loop3A_143 = arith.addf %parallel_loop3A_138, %parallel_loop3A_142 : vector<16xf32>
          %parallel_loop3A_144 = arith.constant 0.000000e+00 : f32
          %parallel_loop3A_145 = vector.broadcast %parallel_loop3A_144 : f32 to vector<16xf32>
          %parallel_loop3A_146 = arith.maximumf %parallel_loop3A_143, %parallel_loop3A_145 : vector<16xf32>
          %parallel_loop3A_147 = arith.index_cast %parallel_loop3A_117 : i32 to index
          %parallel_loop3A_148 = arith.constant 16 : index
          %parallel_loop3A_149 = tpu.vector_load %arg17[%parallel_loop3A_147, %parallel_loop3A_148] {strides = array<i32>} : memref<80x128xf32, #tpu.memory_space<vmem>>, vector<1x16xf32>,
          %parallel_loop3A_150 = vector.shape_cast %parallel_loop3A_149 : vector<1x16xf32> to vector<16xf32>
          %parallel_loop3A_151 = vector.shape_cast %parallel_loop3A_146 : vector<16xf32> to vector<1x16xf32>
          tpu.vector_store %arg17[%parallel_loop3A_147, %parallel_loop3A_148], %parallel_loop3A_151 {strides = array<i32>} : memref<80x128xf32, #tpu.memory_space<vmem>>, vector<1x16xf32>,
          %parallel_loop3A_152 = arith.index_cast %parallel_loop3A_117 : i32 to index
          %parallel_loop3A_153 = arith.constant 32 : index
          %parallel_loop3A_154 = tpu.vector_load %arg17[%parallel_loop3A_152, %parallel_loop3A_153] {strides = array<i32>} : memref<80x128xf32, #tpu.memory_space<vmem>>, vector<1x16xf32>,
          %parallel_loop3A_155 = vector.shape_cast %parallel_loop3A_154 : vector<1x16xf32> to vector<16xf32>
          %parallel_loop3A_156 = arith.index_cast %parallel_loop3A_117 : i32 to index
          %parallel_loop3A_157 = arith.constant 32 : index
          %parallel_loop3A_158 = tpu.vector_load %arg15[%parallel_loop3A_156, %parallel_loop3A_157] {strides = array<i32>} : memref<80x128xf32, #tpu.memory_space<vmem>>, vector<1x16xf32>,
          %parallel_loop3A_159 = vector.shape_cast %parallel_loop3A_158 : vector<1x16xf32> to vector<16xf32>
          %parallel_loop3A_160 = arith.addf %parallel_loop3A_155, %parallel_loop3A_159 : vector<16xf32>
          %parallel_loop3A_161 = arith.constant 0.000000e+00 : f32
          %parallel_loop3A_162 = vector.broadcast %parallel_loop3A_161 : f32 to vector<16xf32>
          %parallel_loop3A_163 = arith.maximumf %parallel_loop3A_160, %parallel_loop3A_162 : vector<16xf32>
          %parallel_loop3A_164 = arith.index_cast %parallel_loop3A_117 : i32 to index
          %parallel_loop3A_165 = arith.constant 32 : index
          %parallel_loop3A_166 = tpu.vector_load %arg17[%parallel_loop3A_164, %parallel_loop3A_165] {strides = array<i32>} : memref<80x128xf32, #tpu.memory_space<vmem>>, vector<1x16xf32>,
          %parallel_loop3A_167 = vector.shape_cast %parallel_loop3A_166 : vector<1x16xf32> to vector<16xf32>
          %parallel_loop3A_168 = vector.shape_cast %parallel_loop3A_163 : vector<16xf32> to vector<1x16xf32>
          tpu.vector_store %arg17[%parallel_loop3A_164, %parallel_loop3A_165], %parallel_loop3A_168 {strides = array<i32>} : memref<80x128xf32, #tpu.memory_space<vmem>>, vector<1x16xf32>,
          %parallel_loop3A_169 = arith.index_cast %parallel_loop3A_117 : i32 to index
          %parallel_loop3A_170 = arith.constant 48 : index
          %parallel_loop3A_171 = tpu.vector_load %arg17[%parallel_loop3A_169, %parallel_loop3A_170] {strides = array<i32>} : memref<80x128xf32, #tpu.memory_space<vmem>>, vector<1x16xf32>,
          %parallel_loop3A_172 = vector.shape_cast %parallel_loop3A_171 : vector<1x16xf32> to vector<16xf32>
          %parallel_loop3A_173 = arith.index_cast %parallel_loop3A_117 : i32 to index
          %parallel_loop3A_174 = arith.constant 48 : index
          %parallel_loop3A_175 = tpu.vector_load %arg15[%parallel_loop3A_173, %parallel_loop3A_174] {strides = array<i32>} : memref<80x128xf32, #tpu.memory_space<vmem>>, vector<1x16xf32>,
          %parallel_loop3A_176 = vector.shape_cast %parallel_loop3A_175 : vector<1x16xf32> to vector<16xf32>
          %parallel_loop3A_177 = arith.addf %parallel_loop3A_172, %parallel_loop3A_176 : vector<16xf32>
          %parallel_loop3A_178 = arith.constant 0.000000e+00 : f32
          %parallel_loop3A_179 = vector.broadcast %parallel_loop3A_178 : f32 to vector<16xf32>
          %parallel_loop3A_180 = arith.maximumf %parallel_loop3A_177, %parallel_loop3A_179 : vector<16xf32>
          %parallel_loop3A_181 = arith.index_cast %parallel_loop3A_117 : i32 to index
          %parallel_loop3A_182 = arith.constant 48 : index
          %parallel_loop3A_183 = tpu.vector_load %arg17[%parallel_loop3A_181, %parallel_loop3A_182] {strides = array<i32>} : memref<80x128xf32, #tpu.memory_space<vmem>>, vector<1x16xf32>,
          %parallel_loop3A_184 = vector.shape_cast %parallel_loop3A_183 : vector<1x16xf32> to vector<16xf32>
          %parallel_loop3A_185 = vector.shape_cast %parallel_loop3A_180 : vector<16xf32> to vector<1x16xf32>
          tpu.vector_store %arg17[%parallel_loop3A_181, %parallel_loop3A_182], %parallel_loop3A_185 {strides = array<i32>} : memref<80x128xf32, #tpu.memory_space<vmem>>, vector<1x16xf32>,
          %parallel_loop3A_186 = arith.index_cast %parallel_loop3A_117 : i32 to index
          %parallel_loop3A_187 = arith.constant 64 : index
          %parallel_loop3A_188 = tpu.vector_load %arg17[%parallel_loop3A_186, %parallel_loop3A_187] {strides = array<i32>} : memref<80x128xf32, #tpu.memory_space<vmem>>, vector<1x16xf32>,
          %parallel_loop3A_189 = vector.shape_cast %parallel_loop3A_188 : vector<1x16xf32> to vector<16xf32>
          %parallel_loop3A_190 = arith.index_cast %parallel_loop3A_117 : i32 to index
          %parallel_loop3A_191 = arith.constant 64 : index
          %parallel_loop3A_192 = tpu.vector_load %arg15[%parallel_loop3A_190, %parallel_loop3A_191] {strides = array<i32>} : memref<80x128xf32, #tpu.memory_space<vmem>>, vector<1x16xf32>,
          %parallel_loop3A_193 = vector.shape_cast %parallel_loop3A_192 : vector<1x16xf32> to vector<16xf32>
          %parallel_loop3A_194 = arith.addf %parallel_loop3A_189, %parallel_loop3A_193 : vector<16xf32>
          %parallel_loop3A_195 = arith.constant 0.000000e+00 : f32
          %parallel_loop3A_196 = vector.broadcast %parallel_loop3A_195 : f32 to vector<16xf32>
          %parallel_loop3A_197 = arith.maximumf %parallel_loop3A_194, %parallel_loop3A_196 : vector<16xf32>
          %parallel_loop3A_198 = arith.index_cast %parallel_loop3A_117 : i32 to index
          %parallel_loop3A_199 = arith.constant 64 : index
          %parallel_loop3A_200 = tpu.vector_load %arg17[%parallel_loop3A_198, %parallel_loop3A_199] {strides = array<i32>} : memref<80x128xf32, #tpu.memory_space<vmem>>, vector<1x16xf32>,
          %parallel_loop3A_201 = vector.shape_cast %parallel_loop3A_200 : vector<1x16xf32> to vector<16xf32>
          %parallel_loop3A_202 = vector.shape_cast %parallel_loop3A_197 : vector<16xf32> to vector<1x16xf32>
          tpu.vector_store %arg17[%parallel_loop3A_198, %parallel_loop3A_199], %parallel_loop3A_202 {strides = array<i32>} : memref<80x128xf32, #tpu.memory_space<vmem>>, vector<1x16xf32>,
          %parallel_loop3A_203 = arith.index_cast %parallel_loop3A_117 : i32 to index
          %parallel_loop3A_204 = arith.constant 80 : index
          %parallel_loop3A_205 = tpu.vector_load %arg17[%parallel_loop3A_203, %parallel_loop3A_204] {strides = array<i32>} : memref<80x128xf32, #tpu.memory_space<vmem>>, vector<1x16xf32>,
          %parallel_loop3A_206 = vector.shape_cast %parallel_loop3A_205 : vector<1x16xf32> to vector<16xf32>
          %parallel_loop3A_207 = arith.index_cast %parallel_loop3A_117 : i32 to index
          %parallel_loop3A_208 = arith.constant 80 : index
          %parallel_loop3A_209 = tpu.vector_load %arg15[%parallel_loop3A_207, %parallel_loop3A_208] {strides = array<i32>} : memref<80x128xf32, #tpu.memory_space<vmem>>, vector<1x16xf32>,
          %parallel_loop3A_210 = vector.shape_cast %parallel_loop3A_209 : vector<1x16xf32> to vector<16xf32>
          %parallel_loop3A_211 = arith.addf %parallel_loop3A_206, %parallel_loop3A_210 : vector<16xf32>
          %parallel_loop3A_212 = arith.constant 0.000000e+00 : f32
          %parallel_loop3A_213 = vector.broadcast %parallel_loop3A_212 : f32 to vector<16xf32>
          %parallel_loop3A_214 = arith.maximumf %parallel_loop3A_211, %parallel_loop3A_213 : vector<16xf32>
          %parallel_loop3A_215 = arith.index_cast %parallel_loop3A_117 : i32 to index
          %parallel_loop3A_216 = arith.constant 80 : index
          %parallel_loop3A_217 = tpu.vector_load %arg17[%parallel_loop3A_215, %parallel_loop3A_216] {strides = array<i32>} : memref<80x128xf32, #tpu.memory_space<vmem>>, vector<1x16xf32>,
          %parallel_loop3A_218 = vector.shape_cast %parallel_loop3A_217 : vector<1x16xf32> to vector<16xf32>
          %parallel_loop3A_219 = vector.shape_cast %parallel_loop3A_214 : vector<16xf32> to vector<1x16xf32>
          tpu.vector_store %arg17[%parallel_loop3A_215, %parallel_loop3A_216], %parallel_loop3A_219 {strides = array<i32>} : memref<80x128xf32, #tpu.memory_space<vmem>>, vector<1x16xf32>,
          %parallel_loop3A_220 = arith.index_cast %parallel_loop3A_117 : i32 to index
          %parallel_loop3A_221 = arith.constant 96 : index
          %parallel_loop3A_222 = tpu.vector_load %arg17[%parallel_loop3A_220, %parallel_loop3A_221] {strides = array<i32>} : memref<80x128xf32, #tpu.memory_space<vmem>>, vector<1x16xf32>,
          %parallel_loop3A_223 = vector.shape_cast %parallel_loop3A_222 : vector<1x16xf32> to vector<16xf32>
          %parallel_loop3A_224 = arith.index_cast %parallel_loop3A_117 : i32 to index
          %parallel_loop3A_225 = arith.constant 96 : index
          %parallel_loop3A_226 = tpu.vector_load %arg15[%parallel_loop3A_224, %parallel_loop3A_225] {strides = array<i32>} : memref<80x128xf32, #tpu.memory_space<vmem>>, vector<1x16xf32>,
          %parallel_loop3A_227 = vector.shape_cast %parallel_loop3A_226 : vector<1x16xf32> to vector<16xf32>
          %parallel_loop3A_228 = arith.addf %parallel_loop3A_223, %parallel_loop3A_227 : vector<16xf32>
          %parallel_loop3A_229 = arith.constant 0.000000e+00 : f32
          %parallel_loop3A_230 = vector.broadcast %parallel_loop3A_229 : f32 to vector<16xf32>
          %parallel_loop3A_231 = arith.maximumf %parallel_loop3A_228, %parallel_loop3A_230 : vector<16xf32>
          %parallel_loop3A_232 = arith.index_cast %parallel_loop3A_117 : i32 to index
          %parallel_loop3A_233 = arith.constant 96 : index
          %parallel_loop3A_234 = tpu.vector_load %arg17[%parallel_loop3A_232, %parallel_loop3A_233] {strides = array<i32>} : memref<80x128xf32, #tpu.memory_space<vmem>>, vector<1x16xf32>,
          %parallel_loop3A_235 = vector.shape_cast %parallel_loop3A_234 : vector<1x16xf32> to vector<16xf32>
          %parallel_loop3A_236 = vector.shape_cast %parallel_loop3A_231 : vector<16xf32> to vector<1x16xf32>
          tpu.vector_store %arg17[%parallel_loop3A_232, %parallel_loop3A_233], %parallel_loop3A_236 {strides = array<i32>} : memref<80x128xf32, #tpu.memory_space<vmem>>, vector<1x16xf32>,
          %parallel_loop3A_237 = arith.index_cast %parallel_loop3A_117 : i32 to index
          %parallel_loop3A_238 = arith.constant 112 : index
          %parallel_loop3A_239 = tpu.vector_load %arg17[%parallel_loop3A_237, %parallel_loop3A_238] {strides = array<i32>} : memref<80x128xf32, #tpu.memory_space<vmem>>, vector<1x16xf32>,
          %parallel_loop3A_240 = vector.shape_cast %parallel_loop3A_239 : vector<1x16xf32> to vector<16xf32>
          %parallel_loop3A_241 = arith.index_cast %parallel_loop3A_117 : i32 to index
          %parallel_loop3A_242 = arith.constant 112 : index
          %parallel_loop3A_243 = tpu.vector_load %arg15[%parallel_loop3A_241, %parallel_loop3A_242] {strides = array<i32>} : memref<80x128xf32, #tpu.memory_space<vmem>>, vector<1x16xf32>,
          %parallel_loop3A_244 = vector.shape_cast %parallel_loop3A_243 : vector<1x16xf32> to vector<16xf32>
          %parallel_loop3A_245 = arith.addf %parallel_loop3A_240, %parallel_loop3A_244 : vector<16xf32>
          %parallel_loop3A_246 = arith.constant 0.000000e+00 : f32
          %parallel_loop3A_247 = vector.broadcast %parallel_loop3A_246 : f32 to vector<16xf32>
          %parallel_loop3A_248 = arith.maximumf %parallel_loop3A_245, %parallel_loop3A_247 : vector<16xf32>
          %parallel_loop3A_249 = arith.index_cast %parallel_loop3A_117 : i32 to index
          %parallel_loop3A_250 = arith.constant 112 : index
          %parallel_loop3A_251 = tpu.vector_load %arg17[%parallel_loop3A_249, %parallel_loop3A_250] {strides = array<i32>} : memref<80x128xf32, #tpu.memory_space<vmem>>, vector<1x16xf32>,
          %parallel_loop3A_252 = vector.shape_cast %parallel_loop3A_251 : vector<1x16xf32> to vector<16xf32>
          %parallel_loop3A_253 = vector.shape_cast %parallel_loop3A_248 : vector<16xf32> to vector<1x16xf32>
          tpu.vector_store %arg17[%parallel_loop3A_249, %parallel_loop3A_250], %parallel_loop3A_253 {strides = array<i32>} : memref<80x128xf32, #tpu.memory_space<vmem>>, vector<1x16xf32>,
        } {sc.loop_unroll_factor = 4 : i64, sc.parallel_access}
        %parallel_loop3A_104 = arith.constant 0 : i32
        %parallel_loop3A_105 = arith.constant 5 : i32
        %parallel_loop3A_106 = arith.constant 1 : i32
        scf.for %parallel_loop3A_117 = %parallel_loop3A_104 to %parallel_loop3A_105 step %parallel_loop3A_106  : i32 {
          %parallel_loop3A_118 = arith.constant 16 : i32
          %parallel_loop3A_119 = arith.muli %parallel_loop3A_117, %parallel_loop3A_118 : i32
          %parallel_loop3A_120 = arith.index_cast %parallel_loop3A_119 : i32 to index
          %parallel_loop3A_121 = tpu.vector_load %arg11[%parallel_loop3A_120] {strides = array<i32>} : memref<80xi32, #tpu.memory_space<vmem>>, vector<16xi32>,
          %parallel_loop3A_122 = vector.shape_cast %parallel_loop3A_121 : vector<16xi32> to vector<16xi32>
          %parallel_loop3A_123 = arith.constant 16 : i32
          %parallel_loop3A_124 = arith.muli %parallel_loop3A_117, %parallel_loop3A_123 : i32
          %parallel_loop3A_125 = arith.index_cast %parallel_loop3A_124 : i32 to index
          %parallel_loop3A_126 = tpu.vector_load %arg13[%parallel_loop3A_125] {strides = array<i32>} : memref<80xi32, #tpu.memory_space<vmem>>, vector<16xi32>,
          %parallel_loop3A_127 = vector.shape_cast %parallel_loop3A_126 : vector<16xi32> to vector<16xi32>
          %parallel_loop3A_128 = vector.shape_cast %parallel_loop3A_122 : vector<16xi32> to vector<16xi32>
          tpu.vector_store %arg13[%parallel_loop3A_125], %parallel_loop3A_128 {strides = array<i32>} : memref<80xi32, #tpu.memory_space<vmem>>, vector<16xi32>,
        } {sc.loop_unroll_factor = 2 : i64, sc.parallel_access}
        %dma_start3A_107 = arith.constant 0 : i32
        %dma_start3A_108 = arith.constant 0 : i32
        %dma_start3A_109 = tpu.memref_slice %arg28[%dma_start3A_107, %dma_start3A_108] : memref<10240x128xf32, #tpu.memory_space<vmem_shared>> -> memref<10240x128xf32, #tpu.memory_space<vmem_shared>>
        tpu.enqueue_indirect_dma source(%arg17 : memref<80x128xf32, #tpu.memory_space<vmem>>) target(%dma_start3A_109 : memref<10240x128xf32, #tpu.memory_space<vmem_shared>>) offsets(%arg13 : memref<80xi32, #tpu.memory_space<vmem>>) semaphore(%arg27 : memref<!tpu.dma_semaphore, #tpu.memory_space<semaphore_mem>>) {add = true}
        %add3A_110 = arith.constant 2 : i32
        %add3A_111 = arith.addi %sub3A_97, %add3A_110 : i32
        %lt3A_112 = arith.constant 125 : i32
        %lt3A_113 = arith.cmpi slt, %add3A_111, %lt3A_112 : i32
        %convert_element_type3A_114 = arith.extui %lt3A_113 : i1 to i32
        %cond3A_115 = arith.constant 0 : i32
        %cond3A_116 = arith.cmpi ne, %convert_element_type3A_114, %cond3A_115 : i32
        scf.if %cond3A_116 {
          %add3A_117 = arith.constant 2 : i32
          %add3A_118 = arith.addi %sub3A_97, %add3A_117 : i32
          %mul3A_119 = arith.constant 80 : i32
          %mul3A_120 = arith.muli %add3A_118, %mul3A_119 : i32
          %add3A_121 = arith.addi %mul3A_2, %mul3A_120 : i32
          %dma_start3A_122 = tpu.memref_slice %arg3[%add3A_121] : memref<320000xi32, #tpu.memory_space<hbm>> -> memref<80xi32, #tpu.memory_space<hbm>>
          %dma_start3A_123 = tpu.memref_slice %arg3[%add3A_121] : memref<320000xi32, #tpu.memory_space<hbm>> -> memref<80xi32, #tpu.memory_space<hbm>>
          tpu.enqueue_dma source(%dma_start3A_123 : memref<80xi32, #tpu.memory_space<hbm>>) target(%arg9 : memref<80xi32, #tpu.memory_space<vmem>>) target_semaphore(%arg19 : memref<!tpu.dma_semaphore, #tpu.memory_space<semaphore_mem>>)
          %dma_start3A_124 = tpu.memref_slice %arg4[%add3A_121] : memref<320000xi32, #tpu.memory_space<hbm>> -> memref<80xi32, #tpu.memory_space<hbm>>
          %dma_start3A_125 = tpu.memref_slice %arg4[%add3A_121] : memref<320000xi32, #tpu.memory_space<hbm>> -> memref<80xi32, #tpu.memory_space<hbm>>
          tpu.enqueue_dma source(%dma_start3A_125 : memref<80xi32, #tpu.memory_space<hbm>>) target(%arg11 : memref<80xi32, #tpu.memory_space<vmem>>) target_semaphore(%arg21 : memref<!tpu.dma_semaphore, #tpu.memory_space<semaphore_mem>>)
          %dma_start3A_126 = arith.constant 0 : i32
          %dma_start3A_127 = tpu.memref_slice %arg5[%add3A_121, %dma_start3A_126] : memref<320000x128xf32, #tpu.memory_space<hbm>> -> memref<80x128xf32, #tpu.memory_space<hbm>>
          %dma_start3A_128 = arith.constant 0 : i32
          %dma_start3A_129 = tpu.memref_slice %arg5[%add3A_121, %dma_start3A_128] : memref<320000x128xf32, #tpu.memory_space<hbm>> -> memref<80x128xf32, #tpu.memory_space<hbm>>
          tpu.enqueue_dma source(%dma_start3A_129 : memref<80x128xf32, #tpu.memory_space<hbm>>) target(%arg15 : memref<80x128xf32, #tpu.memory_space<vmem>>) target_semaphore(%arg23 : memref<!tpu.dma_semaphore, #tpu.memory_space<semaphore_mem>>)
        } else {
        }
      } else {
      }
      %mul3A_67 = arith.constant 2 : i32
      %mul3A_68 = arith.muli %mul3A_67, %scan3A_41 : i32
      %add3A_69 = arith.constant 1 : i32
      %add3A_70 = arith.addi %mul3A_68, %add3A_69 : i32
      %lt3A = arith.constant 125 : i32
      %lt3A_71 = arith.cmpi slt, %add3A_70, %lt3A : i32
      %convert_element_type3A_72 = arith.extui %lt3A_71 : i1 to i32
      %cond3A_73 = arith.constant 0 : i32
      %cond3A_74 = arith.cmpi ne, %convert_element_type3A_72, %cond3A_73 : i32
      scf.if %cond3A_74 {
        %mul3A_95 = arith.constant 2 : i32
        %mul3A_96 = arith.muli %mul3A_95, %scan3A_41 : i32
        %add3A_97 = arith.constant 1 : i32
        %add3A_98 = arith.addi %mul3A_96, %add3A_97 : i32
        %ge3A_99 = arith.constant 2 : i32
        %ge3A_100 = arith.cmpi sge, %add3A_98, %ge3A_99 : i32
        %convert_element_type3A_101 = arith.extui %ge3A_100 : i1 to i32
        %cond3A_102 = arith.constant 0 : i32
        %cond3A_103 = arith.cmpi ne, %convert_element_type3A_101, %cond3A_102 : i32
        scf.if %cond3A_103 {
          %dma_wait3A_121 = arith.constant 0 : i32
          %dma_wait3A_122 = arith.constant 0 : i32
          %dma_wait3A_123 = tpu.memref_slice %arg28[%dma_wait3A_121, %dma_wait3A_122] : memref<10240x128xf32, #tpu.memory_space<vmem_shared>> -> memref<10240x128xf32, #tpu.memory_space<vmem_shared>>
          tpu.wait_indirect_dma semaphore(%arg27 : memref<!tpu.dma_semaphore, #tpu.memory_space<semaphore_mem>>) src(%arg17 : memref<80x128xf32, #tpu.memory_space<vmem>>) dst(%dma_wait3A_123 : memref<10240x128xf32, #tpu.memory_space<vmem_shared>>)
        } else {
        }
        %dma_wait3A_104 = arith.constant 0 : i32
        %dma_wait3A_105 = tpu.memref_slice %arg3[%dma_wait3A_104] : memref<320000xi32, #tpu.memory_space<hbm>> -> memref<80xi32, #tpu.memory_space<hbm>>
        %dma_wait3A_106 = arith.constant 0 : i32
        %dma_wait3A_107 = tpu.memref_slice %arg3[%dma_wait3A_106] : memref<320000xi32, #tpu.memory_space<hbm>> -> memref<80xi32, #tpu.memory_space<hbm>>
        tpu.wait_dma2 semaphore(%arg19 : memref<!tpu.dma_semaphore, #tpu.memory_space<semaphore_mem>>) src(%dma_wait3A_107 : memref<80xi32, #tpu.memory_space<hbm>>) dst(%arg9 : memref<80xi32, #tpu.memory_space<vmem>>)
        %dma_wait3A_108 = arith.constant 0 : i32
        %dma_wait3A_109 = tpu.memref_slice %arg4[%dma_wait3A_108] : memref<320000xi32, #tpu.memory_space<hbm>> -> memref<80xi32, #tpu.memory_space<hbm>>
        %dma_wait3A_110 = arith.constant 0 : i32
        %dma_wait3A_111 = tpu.memref_slice %arg4[%dma_wait3A_110] : memref<320000xi32, #tpu.memory_space<hbm>> -> memref<80xi32, #tpu.memory_space<hbm>>
        tpu.wait_dma2 semaphore(%arg21 : memref<!tpu.dma_semaphore, #tpu.memory_space<semaphore_mem>>) src(%dma_wait3A_111 : memref<80xi32, #tpu.memory_space<hbm>>) dst(%arg11 : memref<80xi32, #tpu.memory_space<vmem>>)
        %dma_wait3A_112 = arith.constant 0 : i32
        %dma_wait3A_113 = arith.constant 0 : i32
        %dma_wait3A_114 = tpu.memref_slice %arg5[%dma_wait3A_112, %dma_wait3A_113] : memref<320000x128xf32, #tpu.memory_space<hbm>> -> memref<80x128xf32, #tpu.memory_space<hbm>>
        %dma_wait3A_115 = arith.constant 0 : i32
        %dma_wait3A_116 = arith.constant 0 : i32
        %dma_wait3A_117 = tpu.memref_slice %arg5[%dma_wait3A_115, %dma_wait3A_116] : memref<320000x128xf32, #tpu.memory_space<hbm>> -> memref<80x128xf32, #tpu.memory_space<hbm>>
        tpu.wait_dma2 semaphore(%arg23 : memref<!tpu.dma_semaphore, #tpu.memory_space<semaphore_mem>>) src(%dma_wait3A_117 : memref<80x128xf32, #tpu.memory_space<hbm>>) dst(%arg15 : memref<80x128xf32, #tpu.memory_space<vmem>>)
        %dma_start3A_118 = arith.constant 0 : i32
        %dma_start3A_119 = arith.constant 0 : i32
        %dma_start3A_120 = tpu.memref_slice %arg2[%dma_start3A_118, %dma_start3A_119] : memref<10240x128xf32, #tpu.memory_space<hbm>> -> memref<10240x128xf32, #tpu.memory_space<hbm>>
        tpu.enqueue_indirect_dma source(%dma_start3A_120 : memref<10240x128xf32, #tpu.memory_space<hbm>>) target(%arg17 : memref<80x128xf32, #tpu.memory_space<vmem>>) offsets(%arg9 : memref<80xi32, #tpu.memory_space<vmem>>) semaphore(%arg25 : memref<!tpu.dma_semaphore, #tpu.memory_space<semaphore_mem>>)
      } else {
      }
      %mul3A_75 = arith.constant 2 : i32
      %mul3A_76 = arith.muli %mul3A_75, %scan3A_41 : i32
      %dma_wait3A_77 = arith.constant 0 : i32
      %dma_wait3A_78 = arith.constant 0 : i32
      %dma_wait3A_79 = tpu.memref_slice %arg2[%dma_wait3A_77, %dma_wait3A_78] : memref<10240x128xf32, #tpu.memory_space<hbm>> -> memref<10240x128xf32, #tpu.memory_space<hbm>>
      tpu.wait_indirect_dma semaphore(%arg24 : memref<!tpu.dma_semaphore, #tpu.memory_space<semaphore_mem>>) src(%dma_wait3A_79 : memref<10240x128xf32, #tpu.memory_space<hbm>>) dst(%arg16 : memref<80x128xf32, #tpu.memory_space<vmem>>)
      %parallel_loop3A = arith.constant 0 : i32
      %parallel_loop3A_80 = arith.constant 80 : i32
      %parallel_loop3A_81 = arith.constant 1 : i32
      scf.for %parallel_loop3A_95 = %parallel_loop3A to %parallel_loop3A_80 step %parallel_loop3A_81  : i32 {
        %parallel_loop3A_96 = arith.index_cast %parallel_loop3A_95 : i32 to index
        %parallel_loop3A_97 = arith.constant 0 : index
        %parallel_loop3A_98 = tpu.vector_load %arg16[%parallel_loop3A_96, %parallel_loop3A_97] {strides = array<i32>} : memref<80x128xf32, #tpu.memory_space<vmem>>, vector<1x16xf32>,
        %parallel_loop3A_99 = vector.shape_cast %parallel_loop3A_98 : vector<1x16xf32> to vector<16xf32>
        %parallel_loop3A_100 = arith.index_cast %parallel_loop3A_95 : i32 to index
        %parallel_loop3A_101 = arith.constant 0 : index
        %parallel_loop3A_102 = tpu.vector_load %arg14[%parallel_loop3A_100, %parallel_loop3A_101] {strides = array<i32>} : memref<80x128xf32, #tpu.memory_space<vmem>>, vector<1x16xf32>,
        %parallel_loop3A_103 = vector.shape_cast %parallel_loop3A_102 : vector<1x16xf32> to vector<16xf32>
        %parallel_loop3A_104 = arith.addf %parallel_loop3A_99, %parallel_loop3A_103 : vector<16xf32>
        %parallel_loop3A_105 = arith.constant 0.000000e+00 : f32
        %parallel_loop3A_106 = vector.broadcast %parallel_loop3A_105 : f32 to vector<16xf32>
        %parallel_loop3A_107 = arith.maximumf %parallel_loop3A_104, %parallel_loop3A_106 : vector<16xf32>
        %parallel_loop3A_108 = arith.index_cast %parallel_loop3A_95 : i32 to index
        %parallel_loop3A_109 = arith.constant 0 : index
        %parallel_loop3A_110 = tpu.vector_load %arg16[%parallel_loop3A_108, %parallel_loop3A_109] {strides = array<i32>} : memref<80x128xf32, #tpu.memory_space<vmem>>, vector<1x16xf32>,
        %parallel_loop3A_111 = vector.shape_cast %parallel_loop3A_110 : vector<1x16xf32> to vector<16xf32>
        %parallel_loop3A_112 = vector.shape_cast %parallel_loop3A_107 : vector<16xf32> to vector<1x16xf32>
        tpu.vector_store %arg16[%parallel_loop3A_108, %parallel_loop3A_109], %parallel_loop3A_112 {strides = array<i32>} : memref<80x128xf32, #tpu.memory_space<vmem>>, vector<1x16xf32>,
        %parallel_loop3A_113 = arith.index_cast %parallel_loop3A_95 : i32 to index
        %parallel_loop3A_114 = arith.constant 16 : index
        %parallel_loop3A_115 = tpu.vector_load %arg16[%parallel_loop3A_113, %parallel_loop3A_114] {strides = array<i32>} : memref<80x128xf32, #tpu.memory_space<vmem>>, vector<1x16xf32>,
        %parallel_loop3A_116 = vector.shape_cast %parallel_loop3A_115 : vector<1x16xf32> to vector<16xf32>
        %parallel_loop3A_117 = arith.index_cast %parallel_loop3A_95 : i32 to index
        %parallel_loop3A_118 = arith.constant 16 : index
        %parallel_loop3A_119 = tpu.vector_load %arg14[%parallel_loop3A_117, %parallel_loop3A_118] {strides = array<i32>} : memref<80x128xf32, #tpu.memory_space<vmem>>, vector<1x16xf32>,
        %parallel_loop3A_120 = vector.shape_cast %parallel_loop3A_119 : vector<1x16xf32> to vector<16xf32>
        %parallel_loop3A_121 = arith.addf %parallel_loop3A_116, %parallel_loop3A_120 : vector<16xf32>
        %parallel_loop3A_122 = arith.constant 0.000000e+00 : f32
        %parallel_loop3A_123 = vector.broadcast %parallel_loop3A_122 : f32 to vector<16xf32>
        %parallel_loop3A_124 = arith.maximumf %parallel_loop3A_121, %parallel_loop3A_123 : vector<16xf32>
        %parallel_loop3A_125 = arith.index_cast %parallel_loop3A_95 : i32 to index
        %parallel_loop3A_126 = arith.constant 16 : index
        %parallel_loop3A_127 = tpu.vector_load %arg16[%parallel_loop3A_125, %parallel_loop3A_126] {strides = array<i32>} : memref<80x128xf32, #tpu.memory_space<vmem>>, vector<1x16xf32>,
        %parallel_loop3A_128 = vector.shape_cast %parallel_loop3A_127 : vector<1x16xf32> to vector<16xf32>
        %parallel_loop3A_129 = vector.shape_cast %parallel_loop3A_124 : vector<16xf32> to vector<1x16xf32>
        tpu.vector_store %arg16[%parallel_loop3A_125, %parallel_loop3A_126], %parallel_loop3A_129 {strides = array<i32>} : memref<80x128xf32, #tpu.memory_space<vmem>>, vector<1x16xf32>,
        %parallel_loop3A_130 = arith.index_cast %parallel_loop3A_95 : i32 to index
        %parallel_loop3A_131 = arith.constant 32 : index
        %parallel_loop3A_132 = tpu.vector_load %arg16[%parallel_loop3A_130, %parallel_loop3A_131] {strides = array<i32>} : memref<80x128xf32, #tpu.memory_space<vmem>>, vector<1x16xf32>,
        %parallel_loop3A_133 = vector.shape_cast %parallel_loop3A_132 : vector<1x16xf32> to vector<16xf32>
        %parallel_loop3A_134 = arith.index_cast %parallel_loop3A_95 : i32 to index
        %parallel_loop3A_135 = arith.constant 32 : index
        %parallel_loop3A_136 = tpu.vector_load %arg14[%parallel_loop3A_134, %parallel_loop3A_135] {strides = array<i32>} : memref<80x128xf32, #tpu.memory_space<vmem>>, vector<1x16xf32>,
        %parallel_loop3A_137 = vector.shape_cast %parallel_loop3A_136 : vector<1x16xf32> to vector<16xf32>
        %parallel_loop3A_138 = arith.addf %parallel_loop3A_133, %parallel_loop3A_137 : vector<16xf32>
        %parallel_loop3A_139 = arith.constant 0.000000e+00 : f32
        %parallel_loop3A_140 = vector.broadcast %parallel_loop3A_139 : f32 to vector<16xf32>
        %parallel_loop3A_141 = arith.maximumf %parallel_loop3A_138, %parallel_loop3A_140 : vector<16xf32>
        %parallel_loop3A_142 = arith.index_cast %parallel_loop3A_95 : i32 to index
        %parallel_loop3A_143 = arith.constant 32 : index
        %parallel_loop3A_144 = tpu.vector_load %arg16[%parallel_loop3A_142, %parallel_loop3A_143] {strides = array<i32>} : memref<80x128xf32, #tpu.memory_space<vmem>>, vector<1x16xf32>,
        %parallel_loop3A_145 = vector.shape_cast %parallel_loop3A_144 : vector<1x16xf32> to vector<16xf32>
        %parallel_loop3A_146 = vector.shape_cast %parallel_loop3A_141 : vector<16xf32> to vector<1x16xf32>
        tpu.vector_store %arg16[%parallel_loop3A_142, %parallel_loop3A_143], %parallel_loop3A_146 {strides = array<i32>} : memref<80x128xf32, #tpu.memory_space<vmem>>, vector<1x16xf32>,
        %parallel_loop3A_147 = arith.index_cast %parallel_loop3A_95 : i32 to index
        %parallel_loop3A_148 = arith.constant 48 : index
        %parallel_loop3A_149 = tpu.vector_load %arg16[%parallel_loop3A_147, %parallel_loop3A_148] {strides = array<i32>} : memref<80x128xf32, #tpu.memory_space<vmem>>, vector<1x16xf32>,
        %parallel_loop3A_150 = vector.shape_cast %parallel_loop3A_149 : vector<1x16xf32> to vector<16xf32>
        %parallel_loop3A_151 = arith.index_cast %parallel_loop3A_95 : i32 to index
        %parallel_loop3A_152 = arith.constant 48 : index
        %parallel_loop3A_153 = tpu.vector_load %arg14[%parallel_loop3A_151, %parallel_loop3A_152] {strides = array<i32>} : memref<80x128xf32, #tpu.memory_space<vmem>>, vector<1x16xf32>,
        %parallel_loop3A_154 = vector.shape_cast %parallel_loop3A_153 : vector<1x16xf32> to vector<16xf32>
        %parallel_loop3A_155 = arith.addf %parallel_loop3A_150, %parallel_loop3A_154 : vector<16xf32>
        %parallel_loop3A_156 = arith.constant 0.000000e+00 : f32
        %parallel_loop3A_157 = vector.broadcast %parallel_loop3A_156 : f32 to vector<16xf32>
        %parallel_loop3A_158 = arith.maximumf %parallel_loop3A_155, %parallel_loop3A_157 : vector<16xf32>
        %parallel_loop3A_159 = arith.index_cast %parallel_loop3A_95 : i32 to index
        %parallel_loop3A_160 = arith.constant 48 : index
        %parallel_loop3A_161 = tpu.vector_load %arg16[%parallel_loop3A_159, %parallel_loop3A_160] {strides = array<i32>} : memref<80x128xf32, #tpu.memory_space<vmem>>, vector<1x16xf32>,
        %parallel_loop3A_162 = vector.shape_cast %parallel_loop3A_161 : vector<1x16xf32> to vector<16xf32>
        %parallel_loop3A_163 = vector.shape_cast %parallel_loop3A_158 : vector<16xf32> to vector<1x16xf32>
        tpu.vector_store %arg16[%parallel_loop3A_159, %parallel_loop3A_160], %parallel_loop3A_163 {strides = array<i32>} : memref<80x128xf32, #tpu.memory_space<vmem>>, vector<1x16xf32>,
        %parallel_loop3A_164 = arith.index_cast %parallel_loop3A_95 : i32 to index
        %parallel_loop3A_165 = arith.constant 64 : index
        %parallel_loop3A_166 = tpu.vector_load %arg16[%parallel_loop3A_164, %parallel_loop3A_165] {strides = array<i32>} : memref<80x128xf32, #tpu.memory_space<vmem>>, vector<1x16xf32>,
        %parallel_loop3A_167 = vector.shape_cast %parallel_loop3A_166 : vector<1x16xf32> to vector<16xf32>
        %parallel_loop3A_168 = arith.index_cast %parallel_loop3A_95 : i32 to index
        %parallel_loop3A_169 = arith.constant 64 : index
        %parallel_loop3A_170 = tpu.vector_load %arg14[%parallel_loop3A_168, %parallel_loop3A_169] {strides = array<i32>} : memref<80x128xf32, #tpu.memory_space<vmem>>, vector<1x16xf32>,
        %parallel_loop3A_171 = vector.shape_cast %parallel_loop3A_170 : vector<1x16xf32> to vector<16xf32>
        %parallel_loop3A_172 = arith.addf %parallel_loop3A_167, %parallel_loop3A_171 : vector<16xf32>
        %parallel_loop3A_173 = arith.constant 0.000000e+00 : f32
        %parallel_loop3A_174 = vector.broadcast %parallel_loop3A_173 : f32 to vector<16xf32>
        %parallel_loop3A_175 = arith.maximumf %parallel_loop3A_172, %parallel_loop3A_174 : vector<16xf32>
        %parallel_loop3A_176 = arith.index_cast %parallel_loop3A_95 : i32 to index
        %parallel_loop3A_177 = arith.constant 64 : index
        %parallel_loop3A_178 = tpu.vector_load %arg16[%parallel_loop3A_176, %parallel_loop3A_177] {strides = array<i32>} : memref<80x128xf32, #tpu.memory_space<vmem>>, vector<1x16xf32>,
        %parallel_loop3A_179 = vector.shape_cast %parallel_loop3A_178 : vector<1x16xf32> to vector<16xf32>
        %parallel_loop3A_180 = vector.shape_cast %parallel_loop3A_175 : vector<16xf32> to vector<1x16xf32>
        tpu.vector_store %arg16[%parallel_loop3A_176, %parallel_loop3A_177], %parallel_loop3A_180 {strides = array<i32>} : memref<80x128xf32, #tpu.memory_space<vmem>>, vector<1x16xf32>,
        %parallel_loop3A_181 = arith.index_cast %parallel_loop3A_95 : i32 to index
        %parallel_loop3A_182 = arith.constant 80 : index
        %parallel_loop3A_183 = tpu.vector_load %arg16[%parallel_loop3A_181, %parallel_loop3A_182] {strides = array<i32>} : memref<80x128xf32, #tpu.memory_space<vmem>>, vector<1x16xf32>,
        %parallel_loop3A_184 = vector.shape_cast %parallel_loop3A_183 : vector<1x16xf32> to vector<16xf32>
        %parallel_loop3A_185 = arith.index_cast %parallel_loop3A_95 : i32 to index
        %parallel_loop3A_186 = arith.constant 80 : index
        %parallel_loop3A_187 = tpu.vector_load %arg14[%parallel_loop3A_185, %parallel_loop3A_186] {strides = array<i32>} : memref<80x128xf32, #tpu.memory_space<vmem>>, vector<1x16xf32>,
        %parallel_loop3A_188 = vector.shape_cast %parallel_loop3A_187 : vector<1x16xf32> to vector<16xf32>
        %parallel_loop3A_189 = arith.addf %parallel_loop3A_184, %parallel_loop3A_188 : vector<16xf32>
        %parallel_loop3A_190 = arith.constant 0.000000e+00 : f32
        %parallel_loop3A_191 = vector.broadcast %parallel_loop3A_190 : f32 to vector<16xf32>
        %parallel_loop3A_192 = arith.maximumf %parallel_loop3A_189, %parallel_loop3A_191 : vector<16xf32>
        %parallel_loop3A_193 = arith.index_cast %parallel_loop3A_95 : i32 to index
        %parallel_loop3A_194 = arith.constant 80 : index
        %parallel_loop3A_195 = tpu.vector_load %arg16[%parallel_loop3A_193, %parallel_loop3A_194] {strides = array<i32>} : memref<80x128xf32, #tpu.memory_space<vmem>>, vector<1x16xf32>,
        %parallel_loop3A_196 = vector.shape_cast %parallel_loop3A_195 : vector<1x16xf32> to vector<16xf32>
        %parallel_loop3A_197 = vector.shape_cast %parallel_loop3A_192 : vector<16xf32> to vector<1x16xf32>
        tpu.vector_store %arg16[%parallel_loop3A_193, %parallel_loop3A_194], %parallel_loop3A_197 {strides = array<i32>} : memref<80x128xf32, #tpu.memory_space<vmem>>, vector<1x16xf32>,
        %parallel_loop3A_198 = arith.index_cast %parallel_loop3A_95 : i32 to index
        %parallel_loop3A_199 = arith.constant 96 : index
        %parallel_loop3A_200 = tpu.vector_load %arg16[%parallel_loop3A_198, %parallel_loop3A_199] {strides = array<i32>} : memref<80x128xf32, #tpu.memory_space<vmem>>, vector<1x16xf32>,
        %parallel_loop3A_201 = vector.shape_cast %parallel_loop3A_200 : vector<1x16xf32> to vector<16xf32>
        %parallel_loop3A_202 = arith.index_cast %parallel_loop3A_95 : i32 to index
        %parallel_loop3A_203 = arith.constant 96 : index
        %parallel_loop3A_204 = tpu.vector_load %arg14[%parallel_loop3A_202, %parallel_loop3A_203] {strides = array<i32>} : memref<80x128xf32, #tpu.memory_space<vmem>>, vector<1x16xf32>,
        %parallel_loop3A_205 = vector.shape_cast %parallel_loop3A_204 : vector<1x16xf32> to vector<16xf32>
        %parallel_loop3A_206 = arith.addf %parallel_loop3A_201, %parallel_loop3A_205 : vector<16xf32>
        %parallel_loop3A_207 = arith.constant 0.000000e+00 : f32
        %parallel_loop3A_208 = vector.broadcast %parallel_loop3A_207 : f32 to vector<16xf32>
        %parallel_loop3A_209 = arith.maximumf %parallel_loop3A_206, %parallel_loop3A_208 : vector<16xf32>
        %parallel_loop3A_210 = arith.index_cast %parallel_loop3A_95 : i32 to index
        %parallel_loop3A_211 = arith.constant 96 : index
        %parallel_loop3A_212 = tpu.vector_load %arg16[%parallel_loop3A_210, %parallel_loop3A_211] {strides = array<i32>} : memref<80x128xf32, #tpu.memory_space<vmem>>, vector<1x16xf32>,
        %parallel_loop3A_213 = vector.shape_cast %parallel_loop3A_212 : vector<1x16xf32> to vector<16xf32>
        %parallel_loop3A_214 = vector.shape_cast %parallel_loop3A_209 : vector<16xf32> to vector<1x16xf32>
        tpu.vector_store %arg16[%parallel_loop3A_210, %parallel_loop3A_211], %parallel_loop3A_214 {strides = array<i32>} : memref<80x128xf32, #tpu.memory_space<vmem>>, vector<1x16xf32>,
        %parallel_loop3A_215 = arith.index_cast %parallel_loop3A_95 : i32 to index
        %parallel_loop3A_216 = arith.constant 112 : index
        %parallel_loop3A_217 = tpu.vector_load %arg16[%parallel_loop3A_215, %parallel_loop3A_216] {strides = array<i32>} : memref<80x128xf32, #tpu.memory_space<vmem>>, vector<1x16xf32>,
        %parallel_loop3A_218 = vector.shape_cast %parallel_loop3A_217 : vector<1x16xf32> to vector<16xf32>
        %parallel_loop3A_219 = arith.index_cast %parallel_loop3A_95 : i32 to index
        %parallel_loop3A_220 = arith.constant 112 : index
        %parallel_loop3A_221 = tpu.vector_load %arg14[%parallel_loop3A_219, %parallel_loop3A_220] {strides = array<i32>} : memref<80x128xf32, #tpu.memory_space<vmem>>, vector<1x16xf32>,
        %parallel_loop3A_222 = vector.shape_cast %parallel_loop3A_221 : vector<1x16xf32> to vector<16xf32>
        %parallel_loop3A_223 = arith.addf %parallel_loop3A_218, %parallel_loop3A_222 : vector<16xf32>
        %parallel_loop3A_224 = arith.constant 0.000000e+00 : f32
        %parallel_loop3A_225 = vector.broadcast %parallel_loop3A_224 : f32 to vector<16xf32>
        %parallel_loop3A_226 = arith.maximumf %parallel_loop3A_223, %parallel_loop3A_225 : vector<16xf32>
        %parallel_loop3A_227 = arith.index_cast %parallel_loop3A_95 : i32 to index
        %parallel_loop3A_228 = arith.constant 112 : index
        %parallel_loop3A_229 = tpu.vector_load %arg16[%parallel_loop3A_227, %parallel_loop3A_228] {strides = array<i32>} : memref<80x128xf32, #tpu.memory_space<vmem>>, vector<1x16xf32>,
        %parallel_loop3A_230 = vector.shape_cast %parallel_loop3A_229 : vector<1x16xf32> to vector<16xf32>
        %parallel_loop3A_231 = vector.shape_cast %parallel_loop3A_226 : vector<16xf32> to vector<1x16xf32>
        tpu.vector_store %arg16[%parallel_loop3A_227, %parallel_loop3A_228], %parallel_loop3A_231 {strides = array<i32>} : memref<80x128xf32, #tpu.memory_space<vmem>>, vector<1x16xf32>,
      } {sc.loop_unroll_factor = 4 : i64, sc.parallel_access}
      %parallel_loop3A_82 = arith.constant 0 : i32
      %parallel_loop3A_83 = arith.constant 5 : i32
      %parallel_loop3A_84 = arith.constant 1 : i32
      scf.for %parallel_loop3A_95 = %parallel_loop3A_82 to %parallel_loop3A_83 step %parallel_loop3A_84  : i32 {
        %parallel_loop3A_96 = arith.constant 16 : i32
        %parallel_loop3A_97 = arith.muli %parallel_loop3A_95, %parallel_loop3A_96 : i32
        %parallel_loop3A_98 = arith.index_cast %parallel_loop3A_97 : i32 to index
        %parallel_loop3A_99 = tpu.vector_load %arg10[%parallel_loop3A_98] {strides = array<i32>} : memref<80xi32, #tpu.memory_space<vmem>>, vector<16xi32>,
        %parallel_loop3A_100 = vector.shape_cast %parallel_loop3A_99 : vector<16xi32> to vector<16xi32>
        %parallel_loop3A_101 = arith.constant 16 : i32
        %parallel_loop3A_102 = arith.muli %parallel_loop3A_95, %parallel_loop3A_101 : i32
        %parallel_loop3A_103 = arith.index_cast %parallel_loop3A_102 : i32 to index
        %parallel_loop3A_104 = tpu.vector_load %arg12[%parallel_loop3A_103] {strides = array<i32>} : memref<80xi32, #tpu.memory_space<vmem>>, vector<16xi32>,
        %parallel_loop3A_105 = vector.shape_cast %parallel_loop3A_104 : vector<16xi32> to vector<16xi32>
        %parallel_loop3A_106 = vector.shape_cast %parallel_loop3A_100 : vector<16xi32> to vector<16xi32>
        tpu.vector_store %arg12[%parallel_loop3A_103], %parallel_loop3A_106 {strides = array<i32>} : memref<80xi32, #tpu.memory_space<vmem>>, vector<16xi32>,
      } {sc.loop_unroll_factor = 2 : i64, sc.parallel_access}
      %dma_start3A_85 = arith.constant 0 : i32
      %dma_start3A_86 = arith.constant 0 : i32
      %dma_start3A_87 = tpu.memref_slice %arg28[%dma_start3A_85, %dma_start3A_86] : memref<10240x128xf32, #tpu.memory_space<vmem_shared>> -> memref<10240x128xf32, #tpu.memory_space<vmem_shared>>
      tpu.enqueue_indirect_dma source(%arg16 : memref<80x128xf32, #tpu.memory_space<vmem>>) target(%dma_start3A_87 : memref<10240x128xf32, #tpu.memory_space<vmem_shared>>) offsets(%arg12 : memref<80xi32, #tpu.memory_space<vmem>>) semaphore(%arg26 : memref<!tpu.dma_semaphore, #tpu.memory_space<semaphore_mem>>) {add = true}
      %add3A_88 = arith.constant 2 : i32
      %add3A_89 = arith.addi %mul3A_76, %add3A_88 : i32
      %lt3A_90 = arith.constant 125 : i32
      %lt3A_91 = arith.cmpi slt, %add3A_89, %lt3A_90 : i32
      %convert_element_type3A_92 = arith.extui %lt3A_91 : i1 to i32
      %cond3A_93 = arith.constant 0 : i32
      %cond3A_94 = arith.cmpi ne, %convert_element_type3A_92, %cond3A_93 : i32
      scf.if %cond3A_94 {
        %add3A_95 = arith.constant 2 : i32
        %add3A_96 = arith.addi %mul3A_76, %add3A_95 : i32
        %mul3A_97 = arith.constant 80 : i32
        %mul3A_98 = arith.muli %add3A_96, %mul3A_97 : i32
        %add3A_99 = arith.addi %mul3A_2, %mul3A_98 : i32
        %dma_start3A_100 = tpu.memref_slice %arg3[%add3A_99] : memref<320000xi32, #tpu.memory_space<hbm>> -> memref<80xi32, #tpu.memory_space<hbm>>
        %dma_start3A_101 = tpu.memref_slice %arg3[%add3A_99] : memref<320000xi32, #tpu.memory_space<hbm>> -> memref<80xi32, #tpu.memory_space<hbm>>
        tpu.enqueue_dma source(%dma_start3A_101 : memref<80xi32, #tpu.memory_space<hbm>>) target(%arg8 : memref<80xi32, #tpu.memory_space<vmem>>) target_semaphore(%arg18 : memref<!tpu.dma_semaphore, #tpu.memory_space<semaphore_mem>>)
        %dma_start3A_102 = tpu.memref_slice %arg4[%add3A_99] : memref<320000xi32, #tpu.memory_space<hbm>> -> memref<80xi32, #tpu.memory_space<hbm>>
        %dma_start3A_103 = tpu.memref_slice %arg4[%add3A_99] : memref<320000xi32, #tpu.memory_space<hbm>> -> memref<80xi32, #tpu.memory_space<hbm>>
        tpu.enqueue_dma source(%dma_start3A_103 : memref<80xi32, #tpu.memory_space<hbm>>) target(%arg10 : memref<80xi32, #tpu.memory_space<vmem>>) target_semaphore(%arg20 : memref<!tpu.dma_semaphore, #tpu.memory_space<semaphore_mem>>)
        %dma_start3A_104 = arith.constant 0 : i32
        %dma_start3A_105 = tpu.memref_slice %arg5[%add3A_99, %dma_start3A_104] : memref<320000x128xf32, #tpu.memory_space<hbm>> -> memref<80x128xf32, #tpu.memory_space<hbm>>
        %dma_start3A_106 = arith.constant 0 : i32
        %dma_start3A_107 = tpu.memref_slice %arg5[%add3A_99, %dma_start3A_106] : memref<320000x128xf32, #tpu.memory_space<hbm>> -> memref<80x128xf32, #tpu.memory_space<hbm>>
        tpu.enqueue_dma source(%dma_start3A_107 : memref<80x128xf32, #tpu.memory_space<hbm>>) target(%arg14 : memref<80x128xf32, #tpu.memory_space<vmem>>) target_semaphore(%arg22 : memref<!tpu.dma_semaphore, #tpu.memory_space<semaphore_mem>>)
      } else {
      }
    }
    %scan3A_30 = arith.constant 63 : i32
    %dma_wait3A = arith.constant 0 : i32
    %dma_wait3A_31 = arith.constant 0 : i32
    %dma_wait3A_32 = tpu.memref_slice %arg28[%dma_wait3A, %dma_wait3A_31] : memref<10240x128xf32, #tpu.memory_space<vmem_shared>> -> memref<10240x128xf32, #tpu.memory_space<vmem_shared>>
    tpu.wait_indirect_dma semaphore(%arg26 : memref<!tpu.dma_semaphore, #tpu.memory_space<semaphore_mem>>) src(%arg16 : memref<80x128xf32, #tpu.memory_space<vmem>>) dst(%dma_wait3A_32 : memref<10240x128xf32, #tpu.memory_space<vmem_shared>>)
    %dma_wait3A_33 = arith.constant 0 : i32
    %dma_wait3A_34 = arith.constant 0 : i32
    %dma_wait3A_35 = tpu.memref_slice %arg28[%dma_wait3A_33, %dma_wait3A_34] : memref<10240x128xf32, #tpu.memory_space<vmem_shared>> -> memref<10240x128xf32, #tpu.memory_space<vmem_shared>>
    tpu.wait_indirect_dma semaphore(%arg27 : memref<!tpu.dma_semaphore, #tpu.memory_space<semaphore_mem>>) src(%arg17 : memref<80x128xf32, #tpu.memory_space<vmem>>) dst(%dma_wait3A_35 : memref<10240x128xf32, #tpu.memory_space<vmem_shared>>)
    %barrier3A_36 = arith.constant 0 : index
    tpu.barrier barrier_id(%barrier3A_36)
    %mul3A_37 = arith.constant 640 : i32
    %mul3A_38 = arith.muli %arg1, %mul3A_37 : i32
    %mul3A_39 = arith.constant 640 : i32
    %mul3A_40 = arith.muli %arg1, %mul3A_39 : i32
    "tpu.region"() ({
      %run_scoped3A = tpu.sem_alloc : memref<!tpu.dma_semaphore, #tpu.memory_space<semaphore_mem>>
      %dma_start3A_41 = arith.constant 0 : i32
      %dma_start3A_42 = arith.constant 0 : i32
      %dma_start3A_43 = tpu.memref_slice %arg7[%arg0, %dma_start3A_41, %dma_start3A_42] : memref<2x10240x128xf32, #tpu.memory_space<hbm>> -> memref<1x10240x128xf32, #tpu.memory_space<hbm>>
      %dma_start3A_44 = tpu.memref_squeeze %dma_start3A_43 : memref<1x10240x128xf32, #tpu.memory_space<hbm>> -> memref<10240x128xf32, #tpu.memory_space<hbm>>
      %dma_start3A_45 = arith.constant 0 : i32
      %dma_start3A_46 = tpu.memref_slice %dma_start3A_44[%mul3A_40, %dma_start3A_45] : memref<10240x128xf32, #tpu.memory_space<hbm>> -> memref<640x128xf32, #tpu.memory_space<hbm>>
      %dma_start3A_47 = arith.constant 0 : i32
      %dma_start3A_48 = tpu.memref_slice %arg28[%mul3A_38, %dma_start3A_47] : memref<10240x128xf32, #tpu.memory_space<vmem_shared>> -> memref<640x128xf32, #tpu.memory_space<vmem_shared>>
      tpu.enqueue_dma source(%dma_start3A_48 : memref<640x128xf32, #tpu.memory_space<vmem_shared>>) target(%dma_start3A_46 : memref<640x128xf32, #tpu.memory_space<hbm>>) target_semaphore(%run_scoped3A : memref<!tpu.dma_semaphore, #tpu.memory_space<semaphore_mem>>)
      %dma_wait3A_49 = arith.constant 0 : i32
      %dma_wait3A_50 = arith.constant 0 : i32
      %dma_wait3A_51 = tpu.memref_slice %arg7[%arg0, %dma_wait3A_49, %dma_wait3A_50] : memref<2x10240x128xf32, #tpu.memory_space<hbm>> -> memref<1x10240x128xf32, #tpu.memory_space<hbm>>
      %dma_wait3A_52 = tpu.memref_squeeze %dma_wait3A_51 : memref<1x10240x128xf32, #tpu.memory_space<hbm>> -> memref<10240x128xf32, #tpu.memory_space<hbm>>
      %dma_wait3A_53 = arith.constant 0 : i32
      %dma_wait3A_54 = tpu.memref_slice %dma_wait3A_52[%mul3A_40, %dma_wait3A_53] : memref<10240x128xf32, #tpu.memory_space<hbm>> -> memref<640x128xf32, #tpu.memory_space<hbm>>
      %dma_wait3A_55 = arith.constant 0 : i32
      %dma_wait3A_56 = tpu.memref_slice %arg28[%mul3A_38, %dma_wait3A_55] : memref<10240x128xf32, #tpu.memory_space<vmem_shared>> -> memref<640x128xf32, #tpu.memory_space<vmem_shared>>
      tpu.wait_dma2 semaphore(%run_scoped3A : memref<!tpu.dma_semaphore, #tpu.memory_space<semaphore_mem>>) src(%dma_wait3A_56 : memref<640x128xf32, #tpu.memory_space<vmem_shared>>) dst(%dma_wait3A_54 : memref<640x128xf32, #tpu.memory_space<hbm>>)
      tpu.yield
    }) : () -> ()
    return
  }
}

module attributes {stable_mosaic.version = 14 : i64} {
  func.func @_edge_mlp_body(%arg0: i32, %arg1: memref<1000x128xf32, #tpu.memory_space<vmem>>, %arg2: memref<128x1024xf32, #tpu.memory_space<vmem>>, %arg3: memref<1x128xf32, #tpu.memory_space<vmem>>, %arg4: memref<128x128xf32, #tpu.memory_space<vmem>>, %arg5: memref<1x128xf32, #tpu.memory_space<vmem>>, %arg6: memref<128x128xf32, #tpu.memory_space<vmem>>, %arg7: memref<1x128xf32, #tpu.memory_space<vmem>>, %arg8: memref<8x1000x128xf32, #tpu.memory_space<vmem>>) attributes {dimension_semantics = [#tpu.dimension_semantics<arbitrary>], iteration_bounds = array<i64: 40>, scalar_prefetch = 0 : i64, scratch_operands = 0 : i64, tpu.core_type = #tpu.core_type<tc>, window_params = [{transform_indices = @transform_0, window_bounds = array<i64: 1000, 128>}, {pipeline_mode = #tpu.pipeline_mode<synchronous>, transform_indices = @transform_1, window_bounds = array<i64: 128, 1024>}, {pipeline_mode = #tpu.pipeline_mode<synchronous>, transform_indices = @transform_2, window_bounds = array<i64: 1, 128>}, {pipeline_mode = #tpu.pipeline_mode<synchronous>, transform_indices = @transform_3, window_bounds = array<i64: 128, 128>}, {pipeline_mode = #tpu.pipeline_mode<synchronous>, transform_indices = @transform_4, window_bounds = array<i64: 1, 128>}, {pipeline_mode = #tpu.pipeline_mode<synchronous>, transform_indices = @transform_5, window_bounds = array<i64: 128, 128>}, {pipeline_mode = #tpu.pipeline_mode<synchronous>, transform_indices = @transform_6, window_bounds = array<i64: 1, 128>}, {transform_indices = @transform_7, window_bounds = array<i64: 8, 1000, 128>}]} {
    %get3A = arith.constant 0 : index
    %get3A_0 = arith.constant 0 : index
    %get3A_1 = vector.load %arg1[%get3A, %get3A_0] : memref<1000x128xf32, #tpu.memory_space<vmem>>, vector<1000x128xf32>
    %get3A_2 = arith.constant 0 : index
    %get3A_3 = arith.constant 0 : index
    %get3A_4 = vector.load %arg2[%get3A_2, %get3A_3] : memref<128x1024xf32, #tpu.memory_space<vmem>>, vector<128x1024xf32>
    %dot_general3A = arith.constant dense<0.000000e+00> : vector<1000x1024xf32>
    %dot_general3A_5 = tpu.matmul %get3A_1, %get3A_4, %dot_general3A {dimension_numbers = #tpu.dot_dimension_numbers<[1], [0], [0], [1], [0, 0, 1, 1], [], []>, transpose_lhs_hint = false} : vector<1000x128xf32>, vector<128x1024xf32>, vector<1000x1024xf32> -> vector<1000x1024xf32>
    %slice3A = vector.extract_strided_slice %dot_general3A_5 {offsets = [0, 0], sizes = [1000, 128], strides = [1, 1]} : vector<1000x1024xf32> to vector<1000x128xf32>
    %get3A_6 = arith.constant 0 : index
    %get3A_7 = arith.constant 0 : index
    %get3A_8 = vector.load %arg3[%get3A_6, %get3A_7] : memref<1x128xf32, #tpu.memory_space<vmem>>, vector<1x128xf32>
    %add3A = vector.broadcast %get3A_8 : vector<1x128xf32> to vector<1000x128xf32>
    %add3A_9 = arith.addf %slice3A, %add3A : vector<1000x128xf32>
    %max3A = arith.constant 0.000000e+00 : f32
    %max3A_10 = vector.broadcast %max3A : f32 to vector<1000x128xf32>
    %max3A_11 = arith.maximumf %add3A_9, %max3A_10 : vector<1000x128xf32>
    %get3A_12 = arith.constant 0 : index
    %get3A_13 = arith.constant 0 : index
    %get3A_14 = vector.load %arg4[%get3A_12, %get3A_13] : memref<128x128xf32, #tpu.memory_space<vmem>>, vector<128x128xf32>
    %dot_general3A_15 = arith.constant dense<0.000000e+00> : vector<1000x128xf32>
    %dot_general3A_16 = tpu.matmul %max3A_11, %get3A_14, %dot_general3A_15 {dimension_numbers = #tpu.dot_dimension_numbers<[1], [0], [0], [1], [0, 0, 1, 1], [], []>, transpose_lhs_hint = false} : vector<1000x128xf32>, vector<128x128xf32>, vector<1000x128xf32> -> vector<1000x128xf32>
    %slice3A_17 = vector.extract_strided_slice %get3A_1 {offsets = [0, 0], sizes = [1000, 1], strides = [1, 1]} : vector<1000x128xf32> to vector<1000x1xf32>
    %jit3A = arith.constant 0.000000e+00 : f32
    %jit3A_18 = arith.constant 1.000000e+00 : f32
    %max3A_19 = vector.broadcast %jit3A : f32 to vector<1000x1xf32>
    %max3A_20 = arith.maximumf %max3A_19, %slice3A_17 : vector<1000x1xf32>
    %min3A = vector.broadcast %jit3A_18 : f32 to vector<1000x1xf32>
    %min3A_21 = arith.minimumf %min3A, %max3A_20 : vector<1000x1xf32>
    %add3A_22 = arith.constant 0.00999999977 : f32
    %add3A_23 = vector.broadcast %add3A_22 : f32 to vector<1000x1xf32>
    %add3A_24 = arith.addf %min3A_21, %add3A_23 : vector<1000x1xf32>
    %get3A_25 = arith.constant 0 : index
    %get3A_26 = arith.constant 0 : index
    %get3A_27 = vector.load %arg5[%get3A_25, %get3A_26] : memref<1x128xf32, #tpu.memory_space<vmem>>, vector<1x128xf32>
    %add3A_28 = vector.broadcast %get3A_27 : vector<1x128xf32> to vector<1000x128xf32>
    %add3A_29 = arith.addf %dot_general3A_16, %add3A_28 : vector<1000x128xf32>
    %mul3A = vector.broadcast %add3A_24 : vector<1000x1xf32> to vector<1000x128xf32>
    %mul3A_30 = arith.mulf %add3A_29, %mul3A : vector<1000x128xf32>
    %get3A_31 = arith.constant 0 : index
    %get3A_32 = arith.constant 0 : index
    %get3A_33 = vector.load %arg6[%get3A_31, %get3A_32] : memref<128x128xf32, #tpu.memory_space<vmem>>, vector<128x128xf32>
    %dot_general3A_34 = arith.constant dense<0.000000e+00> : vector<1000x128xf32>
    %dot_general3A_35 = tpu.matmul %mul3A_30, %get3A_33, %dot_general3A_34 {dimension_numbers = #tpu.dot_dimension_numbers<[1], [0], [0], [1], [0, 0, 1, 1], [], []>, transpose_lhs_hint = false} : vector<1000x128xf32>, vector<128x128xf32>, vector<1000x128xf32> -> vector<1000x128xf32>
    %get3A_36 = arith.constant 0 : index
    %get3A_37 = arith.constant 0 : index
    %get3A_38 = vector.load %arg7[%get3A_36, %get3A_37] : memref<1x128xf32, #tpu.memory_space<vmem>>, vector<1x128xf32>
    %add3A_39 = vector.broadcast %get3A_38 : vector<1x128xf32> to vector<1000x128xf32>
    %add3A_40 = arith.addf %dot_general3A_35, %add3A_39 : vector<1000x128xf32>
    %swap3A = arith.constant 0 : index
    %swap3A_41 = arith.constant 0 : index
    %swap3A_42 = arith.constant 0 : index
    %swap3A_43 = vector.load %arg8[%swap3A, %swap3A_41, %swap3A_42] : memref<8x1000x128xf32, #tpu.memory_space<vmem>>, vector<1x1000x128xf32>
    %swap3A_44 = vector.shape_cast %swap3A_43 : vector<1x1000x128xf32> to vector<1000x128xf32>
    %swap3A_45 = vector.shape_cast %add3A_40 : vector<1000x128xf32> to vector<1x1000x128xf32>
    tpu.vector_store %arg8[%swap3A, %swap3A_41, %swap3A_42], %swap3A_45 {strides = array<i32>} : memref<8x1000x128xf32, #tpu.memory_space<vmem>>, vector<1x1000x128xf32>,
    %slice3A_46 = vector.extract_strided_slice %dot_general3A_5 {offsets = [0, 128], sizes = [1000, 128], strides = [1, 1]} : vector<1000x1024xf32> to vector<1000x128xf32>
    %get3A_47 = arith.constant 0 : index
    %get3A_48 = arith.constant 0 : index
    %get3A_49 = vector.load %arg3[%get3A_47, %get3A_48] : memref<1x128xf32, #tpu.memory_space<vmem>>, vector<1x128xf32>
    %add3A_50 = vector.broadcast %get3A_49 : vector<1x128xf32> to vector<1000x128xf32>
    %add3A_51 = arith.addf %slice3A_46, %add3A_50 : vector<1000x128xf32>
    %max3A_52 = arith.constant 0.000000e+00 : f32
    %max3A_53 = vector.broadcast %max3A_52 : f32 to vector<1000x128xf32>
    %max3A_54 = arith.maximumf %add3A_51, %max3A_53 : vector<1000x128xf32>
    %get3A_55 = arith.constant 0 : index
    %get3A_56 = arith.constant 0 : index
    %get3A_57 = vector.load %arg4[%get3A_55, %get3A_56] : memref<128x128xf32, #tpu.memory_space<vmem>>, vector<128x128xf32>
    %dot_general3A_58 = arith.constant dense<0.000000e+00> : vector<1000x128xf32>
    %dot_general3A_59 = tpu.matmul %max3A_54, %get3A_57, %dot_general3A_58 {dimension_numbers = #tpu.dot_dimension_numbers<[1], [0], [0], [1], [0, 0, 1, 1], [], []>, transpose_lhs_hint = false} : vector<1000x128xf32>, vector<128x128xf32>, vector<1000x128xf32> -> vector<1000x128xf32>
    %slice3A_60 = vector.extract_strided_slice %get3A_1 {offsets = [0, 16], sizes = [1000, 1], strides = [1, 1]} : vector<1000x128xf32> to vector<1000x1xf32>
    %jit3A_61 = arith.constant 0.000000e+00 : f32
    %jit3A_62 = arith.constant 1.000000e+00 : f32
    %max3A_63 = vector.broadcast %jit3A_61 : f32 to vector<1000x1xf32>
    %max3A_64 = arith.maximumf %max3A_63, %slice3A_60 : vector<1000x1xf32>
    %min3A_65 = vector.broadcast %jit3A_62 : f32 to vector<1000x1xf32>
    %min3A_66 = arith.minimumf %min3A_65, %max3A_64 : vector<1000x1xf32>
    %add3A_67 = arith.constant 0.00999999977 : f32
    %add3A_68 = vector.broadcast %add3A_67 : f32 to vector<1000x1xf32>
    %add3A_69 = arith.addf %min3A_66, %add3A_68 : vector<1000x1xf32>
    %get3A_70 = arith.constant 0 : index
    %get3A_71 = arith.constant 0 : index
    %get3A_72 = vector.load %arg5[%get3A_70, %get3A_71] : memref<1x128xf32, #tpu.memory_space<vmem>>, vector<1x128xf32>
    %add3A_73 = vector.broadcast %get3A_72 : vector<1x128xf32> to vector<1000x128xf32>
    %add3A_74 = arith.addf %dot_general3A_59, %add3A_73 : vector<1000x128xf32>
    %mul3A_75 = vector.broadcast %add3A_69 : vector<1000x1xf32> to vector<1000x128xf32>
    %mul3A_76 = arith.mulf %add3A_74, %mul3A_75 : vector<1000x128xf32>
    %get3A_77 = arith.constant 0 : index
    %get3A_78 = arith.constant 0 : index
    %get3A_79 = vector.load %arg6[%get3A_77, %get3A_78] : memref<128x128xf32, #tpu.memory_space<vmem>>, vector<128x128xf32>
    %dot_general3A_80 = arith.constant dense<0.000000e+00> : vector<1000x128xf32>
    %dot_general3A_81 = tpu.matmul %mul3A_76, %get3A_79, %dot_general3A_80 {dimension_numbers = #tpu.dot_dimension_numbers<[1], [0], [0], [1], [0, 0, 1, 1], [], []>, transpose_lhs_hint = false} : vector<1000x128xf32>, vector<128x128xf32>, vector<1000x128xf32> -> vector<1000x128xf32>
    %get3A_82 = arith.constant 0 : index
    %get3A_83 = arith.constant 0 : index
    %get3A_84 = vector.load %arg7[%get3A_82, %get3A_83] : memref<1x128xf32, #tpu.memory_space<vmem>>, vector<1x128xf32>
    %add3A_85 = vector.broadcast %get3A_84 : vector<1x128xf32> to vector<1000x128xf32>
    %add3A_86 = arith.addf %dot_general3A_81, %add3A_85 : vector<1000x128xf32>
    %swap3A_87 = arith.constant 1 : index
    %swap3A_88 = arith.constant 0 : index
    %swap3A_89 = arith.constant 0 : index
    %swap3A_90 = vector.load %arg8[%swap3A_87, %swap3A_88, %swap3A_89] : memref<8x1000x128xf32, #tpu.memory_space<vmem>>, vector<1x1000x128xf32>
    %swap3A_91 = vector.shape_cast %swap3A_90 : vector<1x1000x128xf32> to vector<1000x128xf32>
    %swap3A_92 = vector.shape_cast %add3A_86 : vector<1000x128xf32> to vector<1x1000x128xf32>
    tpu.vector_store %arg8[%swap3A_87, %swap3A_88, %swap3A_89], %swap3A_92 {strides = array<i32>} : memref<8x1000x128xf32, #tpu.memory_space<vmem>>, vector<1x1000x128xf32>,
    %slice3A_93 = vector.extract_strided_slice %dot_general3A_5 {offsets = [0, 256], sizes = [1000, 128], strides = [1, 1]} : vector<1000x1024xf32> to vector<1000x128xf32>
    %get3A_94 = arith.constant 0 : index
    %get3A_95 = arith.constant 0 : index
    %get3A_96 = vector.load %arg3[%get3A_94, %get3A_95] : memref<1x128xf32, #tpu.memory_space<vmem>>, vector<1x128xf32>
    %add3A_97 = vector.broadcast %get3A_96 : vector<1x128xf32> to vector<1000x128xf32>
    %add3A_98 = arith.addf %slice3A_93, %add3A_97 : vector<1000x128xf32>
    %max3A_99 = arith.constant 0.000000e+00 : f32
    %max3A_100 = vector.broadcast %max3A_99 : f32 to vector<1000x128xf32>
    %max3A_101 = arith.maximumf %add3A_98, %max3A_100 : vector<1000x128xf32>
    %get3A_102 = arith.constant 0 : index
    %get3A_103 = arith.constant 0 : index
    %get3A_104 = vector.load %arg4[%get3A_102, %get3A_103] : memref<128x128xf32, #tpu.memory_space<vmem>>, vector<128x128xf32>
    %dot_general3A_105 = arith.constant dense<0.000000e+00> : vector<1000x128xf32>
    %dot_general3A_106 = tpu.matmul %max3A_101, %get3A_104, %dot_general3A_105 {dimension_numbers = #tpu.dot_dimension_numbers<[1], [0], [0], [1], [0, 0, 1, 1], [], []>, transpose_lhs_hint = false} : vector<1000x128xf32>, vector<128x128xf32>, vector<1000x128xf32> -> vector<1000x128xf32>
    %slice3A_107 = vector.extract_strided_slice %get3A_1 {offsets = [0, 32], sizes = [1000, 1], strides = [1, 1]} : vector<1000x128xf32> to vector<1000x1xf32>
    %jit3A_108 = arith.constant 0.000000e+00 : f32
    %jit3A_109 = arith.constant 1.000000e+00 : f32
    %max3A_110 = vector.broadcast %jit3A_108 : f32 to vector<1000x1xf32>
    %max3A_111 = arith.maximumf %max3A_110, %slice3A_107 : vector<1000x1xf32>
    %min3A_112 = vector.broadcast %jit3A_109 : f32 to vector<1000x1xf32>
    %min3A_113 = arith.minimumf %min3A_112, %max3A_111 : vector<1000x1xf32>
    %add3A_114 = arith.constant 0.00999999977 : f32
    %add3A_115 = vector.broadcast %add3A_114 : f32 to vector<1000x1xf32>
    %add3A_116 = arith.addf %min3A_113, %add3A_115 : vector<1000x1xf32>
    %get3A_117 = arith.constant 0 : index
    %get3A_118 = arith.constant 0 : index
    %get3A_119 = vector.load %arg5[%get3A_117, %get3A_118] : memref<1x128xf32, #tpu.memory_space<vmem>>, vector<1x128xf32>
    %add3A_120 = vector.broadcast %get3A_119 : vector<1x128xf32> to vector<1000x128xf32>
    %add3A_121 = arith.addf %dot_general3A_106, %add3A_120 : vector<1000x128xf32>
    %mul3A_122 = vector.broadcast %add3A_116 : vector<1000x1xf32> to vector<1000x128xf32>
    %mul3A_123 = arith.mulf %add3A_121, %mul3A_122 : vector<1000x128xf32>
    %get3A_124 = arith.constant 0 : index
    %get3A_125 = arith.constant 0 : index
    %get3A_126 = vector.load %arg6[%get3A_124, %get3A_125] : memref<128x128xf32, #tpu.memory_space<vmem>>, vector<128x128xf32>
    %dot_general3A_127 = arith.constant dense<0.000000e+00> : vector<1000x128xf32>
    %dot_general3A_128 = tpu.matmul %mul3A_123, %get3A_126, %dot_general3A_127 {dimension_numbers = #tpu.dot_dimension_numbers<[1], [0], [0], [1], [0, 0, 1, 1], [], []>, transpose_lhs_hint = false} : vector<1000x128xf32>, vector<128x128xf32>, vector<1000x128xf32> -> vector<1000x128xf32>
    %get3A_129 = arith.constant 0 : index
    %get3A_130 = arith.constant 0 : index
    %get3A_131 = vector.load %arg7[%get3A_129, %get3A_130] : memref<1x128xf32, #tpu.memory_space<vmem>>, vector<1x128xf32>
    %add3A_132 = vector.broadcast %get3A_131 : vector<1x128xf32> to vector<1000x128xf32>
    %add3A_133 = arith.addf %dot_general3A_128, %add3A_132 : vector<1000x128xf32>
    %swap3A_134 = arith.constant 2 : index
    %swap3A_135 = arith.constant 0 : index
    %swap3A_136 = arith.constant 0 : index
    %swap3A_137 = vector.load %arg8[%swap3A_134, %swap3A_135, %swap3A_136] : memref<8x1000x128xf32, #tpu.memory_space<vmem>>, vector<1x1000x128xf32>
    %swap3A_138 = vector.shape_cast %swap3A_137 : vector<1x1000x128xf32> to vector<1000x128xf32>
    %swap3A_139 = vector.shape_cast %add3A_133 : vector<1000x128xf32> to vector<1x1000x128xf32>
    tpu.vector_store %arg8[%swap3A_134, %swap3A_135, %swap3A_136], %swap3A_139 {strides = array<i32>} : memref<8x1000x128xf32, #tpu.memory_space<vmem>>, vector<1x1000x128xf32>,
    %slice3A_140 = vector.extract_strided_slice %dot_general3A_5 {offsets = [0, 384], sizes = [1000, 128], strides = [1, 1]} : vector<1000x1024xf32> to vector<1000x128xf32>
    %get3A_141 = arith.constant 0 : index
    %get3A_142 = arith.constant 0 : index
    %get3A_143 = vector.load %arg3[%get3A_141, %get3A_142] : memref<1x128xf32, #tpu.memory_space<vmem>>, vector<1x128xf32>
    %add3A_144 = vector.broadcast %get3A_143 : vector<1x128xf32> to vector<1000x128xf32>
    %add3A_145 = arith.addf %slice3A_140, %add3A_144 : vector<1000x128xf32>
    %max3A_146 = arith.constant 0.000000e+00 : f32
    %max3A_147 = vector.broadcast %max3A_146 : f32 to vector<1000x128xf32>
    %max3A_148 = arith.maximumf %add3A_145, %max3A_147 : vector<1000x128xf32>
    %get3A_149 = arith.constant 0 : index
    %get3A_150 = arith.constant 0 : index
    %get3A_151 = vector.load %arg4[%get3A_149, %get3A_150] : memref<128x128xf32, #tpu.memory_space<vmem>>, vector<128x128xf32>
    %dot_general3A_152 = arith.constant dense<0.000000e+00> : vector<1000x128xf32>
    %dot_general3A_153 = tpu.matmul %max3A_148, %get3A_151, %dot_general3A_152 {dimension_numbers = #tpu.dot_dimension_numbers<[1], [0], [0], [1], [0, 0, 1, 1], [], []>, transpose_lhs_hint = false} : vector<1000x128xf32>, vector<128x128xf32>, vector<1000x128xf32> -> vector<1000x128xf32>
    %slice3A_154 = vector.extract_strided_slice %get3A_1 {offsets = [0, 48], sizes = [1000, 1], strides = [1, 1]} : vector<1000x128xf32> to vector<1000x1xf32>
    %jit3A_155 = arith.constant 0.000000e+00 : f32
    %jit3A_156 = arith.constant 1.000000e+00 : f32
    %max3A_157 = vector.broadcast %jit3A_155 : f32 to vector<1000x1xf32>
    %max3A_158 = arith.maximumf %max3A_157, %slice3A_154 : vector<1000x1xf32>
    %min3A_159 = vector.broadcast %jit3A_156 : f32 to vector<1000x1xf32>
    %min3A_160 = arith.minimumf %min3A_159, %max3A_158 : vector<1000x1xf32>
    %add3A_161 = arith.constant 0.00999999977 : f32
    %add3A_162 = vector.broadcast %add3A_161 : f32 to vector<1000x1xf32>
    %add3A_163 = arith.addf %min3A_160, %add3A_162 : vector<1000x1xf32>
    %get3A_164 = arith.constant 0 : index
    %get3A_165 = arith.constant 0 : index
    %get3A_166 = vector.load %arg5[%get3A_164, %get3A_165] : memref<1x128xf32, #tpu.memory_space<vmem>>, vector<1x128xf32>
    %add3A_167 = vector.broadcast %get3A_166 : vector<1x128xf32> to vector<1000x128xf32>
    %add3A_168 = arith.addf %dot_general3A_153, %add3A_167 : vector<1000x128xf32>
    %mul3A_169 = vector.broadcast %add3A_163 : vector<1000x1xf32> to vector<1000x128xf32>
    %mul3A_170 = arith.mulf %add3A_168, %mul3A_169 : vector<1000x128xf32>
    %get3A_171 = arith.constant 0 : index
    %get3A_172 = arith.constant 0 : index
    %get3A_173 = vector.load %arg6[%get3A_171, %get3A_172] : memref<128x128xf32, #tpu.memory_space<vmem>>, vector<128x128xf32>
    %dot_general3A_174 = arith.constant dense<0.000000e+00> : vector<1000x128xf32>
    %dot_general3A_175 = tpu.matmul %mul3A_170, %get3A_173, %dot_general3A_174 {dimension_numbers = #tpu.dot_dimension_numbers<[1], [0], [0], [1], [0, 0, 1, 1], [], []>, transpose_lhs_hint = false} : vector<1000x128xf32>, vector<128x128xf32>, vector<1000x128xf32> -> vector<1000x128xf32>
    %get3A_176 = arith.constant 0 : index
    %get3A_177 = arith.constant 0 : index
    %get3A_178 = vector.load %arg7[%get3A_176, %get3A_177] : memref<1x128xf32, #tpu.memory_space<vmem>>, vector<1x128xf32>
    %add3A_179 = vector.broadcast %get3A_178 : vector<1x128xf32> to vector<1000x128xf32>
    %add3A_180 = arith.addf %dot_general3A_175, %add3A_179 : vector<1000x128xf32>
    %swap3A_181 = arith.constant 3 : index
    %swap3A_182 = arith.constant 0 : index
    %swap3A_183 = arith.constant 0 : index
    %swap3A_184 = vector.load %arg8[%swap3A_181, %swap3A_182, %swap3A_183] : memref<8x1000x128xf32, #tpu.memory_space<vmem>>, vector<1x1000x128xf32>
    %swap3A_185 = vector.shape_cast %swap3A_184 : vector<1x1000x128xf32> to vector<1000x128xf32>
    %swap3A_186 = vector.shape_cast %add3A_180 : vector<1000x128xf32> to vector<1x1000x128xf32>
    tpu.vector_store %arg8[%swap3A_181, %swap3A_182, %swap3A_183], %swap3A_186 {strides = array<i32>} : memref<8x1000x128xf32, #tpu.memory_space<vmem>>, vector<1x1000x128xf32>,
    %slice3A_187 = vector.extract_strided_slice %dot_general3A_5 {offsets = [0, 512], sizes = [1000, 128], strides = [1, 1]} : vector<1000x1024xf32> to vector<1000x128xf32>
    %get3A_188 = arith.constant 0 : index
    %get3A_189 = arith.constant 0 : index
    %get3A_190 = vector.load %arg3[%get3A_188, %get3A_189] : memref<1x128xf32, #tpu.memory_space<vmem>>, vector<1x128xf32>
    %add3A_191 = vector.broadcast %get3A_190 : vector<1x128xf32> to vector<1000x128xf32>
    %add3A_192 = arith.addf %slice3A_187, %add3A_191 : vector<1000x128xf32>
    %max3A_193 = arith.constant 0.000000e+00 : f32
    %max3A_194 = vector.broadcast %max3A_193 : f32 to vector<1000x128xf32>
    %max3A_195 = arith.maximumf %add3A_192, %max3A_194 : vector<1000x128xf32>
    %get3A_196 = arith.constant 0 : index
    %get3A_197 = arith.constant 0 : index
    %get3A_198 = vector.load %arg4[%get3A_196, %get3A_197] : memref<128x128xf32, #tpu.memory_space<vmem>>, vector<128x128xf32>
    %dot_general3A_199 = arith.constant dense<0.000000e+00> : vector<1000x128xf32>
    %dot_general3A_200 = tpu.matmul %max3A_195, %get3A_198, %dot_general3A_199 {dimension_numbers = #tpu.dot_dimension_numbers<[1], [0], [0], [1], [0, 0, 1, 1], [], []>, transpose_lhs_hint = false} : vector<1000x128xf32>, vector<128x128xf32>, vector<1000x128xf32> -> vector<1000x128xf32>
    %slice3A_201 = vector.extract_strided_slice %get3A_1 {offsets = [0, 64], sizes = [1000, 1], strides = [1, 1]} : vector<1000x128xf32> to vector<1000x1xf32>
    %jit3A_202 = arith.constant 0.000000e+00 : f32
    %jit3A_203 = arith.constant 1.000000e+00 : f32
    %max3A_204 = vector.broadcast %jit3A_202 : f32 to vector<1000x1xf32>
    %max3A_205 = arith.maximumf %max3A_204, %slice3A_201 : vector<1000x1xf32>
    %min3A_206 = vector.broadcast %jit3A_203 : f32 to vector<1000x1xf32>
    %min3A_207 = arith.minimumf %min3A_206, %max3A_205 : vector<1000x1xf32>
    %add3A_208 = arith.constant 0.00999999977 : f32
    %add3A_209 = vector.broadcast %add3A_208 : f32 to vector<1000x1xf32>
    %add3A_210 = arith.addf %min3A_207, %add3A_209 : vector<1000x1xf32>
    %get3A_211 = arith.constant 0 : index
    %get3A_212 = arith.constant 0 : index
    %get3A_213 = vector.load %arg5[%get3A_211, %get3A_212] : memref<1x128xf32, #tpu.memory_space<vmem>>, vector<1x128xf32>
    %add3A_214 = vector.broadcast %get3A_213 : vector<1x128xf32> to vector<1000x128xf32>
    %add3A_215 = arith.addf %dot_general3A_200, %add3A_214 : vector<1000x128xf32>
    %mul3A_216 = vector.broadcast %add3A_210 : vector<1000x1xf32> to vector<1000x128xf32>
    %mul3A_217 = arith.mulf %add3A_215, %mul3A_216 : vector<1000x128xf32>
    %get3A_218 = arith.constant 0 : index
    %get3A_219 = arith.constant 0 : index
    %get3A_220 = vector.load %arg6[%get3A_218, %get3A_219] : memref<128x128xf32, #tpu.memory_space<vmem>>, vector<128x128xf32>
    %dot_general3A_221 = arith.constant dense<0.000000e+00> : vector<1000x128xf32>
    %dot_general3A_222 = tpu.matmul %mul3A_217, %get3A_220, %dot_general3A_221 {dimension_numbers = #tpu.dot_dimension_numbers<[1], [0], [0], [1], [0, 0, 1, 1], [], []>, transpose_lhs_hint = false} : vector<1000x128xf32>, vector<128x128xf32>, vector<1000x128xf32> -> vector<1000x128xf32>
    %get3A_223 = arith.constant 0 : index
    %get3A_224 = arith.constant 0 : index
    %get3A_225 = vector.load %arg7[%get3A_223, %get3A_224] : memref<1x128xf32, #tpu.memory_space<vmem>>, vector<1x128xf32>
    %add3A_226 = vector.broadcast %get3A_225 : vector<1x128xf32> to vector<1000x128xf32>
    %add3A_227 = arith.addf %dot_general3A_222, %add3A_226 : vector<1000x128xf32>
    %swap3A_228 = arith.constant 4 : index
    %swap3A_229 = arith.constant 0 : index
    %swap3A_230 = arith.constant 0 : index
    %swap3A_231 = vector.load %arg8[%swap3A_228, %swap3A_229, %swap3A_230] : memref<8x1000x128xf32, #tpu.memory_space<vmem>>, vector<1x1000x128xf32>
    %swap3A_232 = vector.shape_cast %swap3A_231 : vector<1x1000x128xf32> to vector<1000x128xf32>
    %swap3A_233 = vector.shape_cast %add3A_227 : vector<1000x128xf32> to vector<1x1000x128xf32>
    tpu.vector_store %arg8[%swap3A_228, %swap3A_229, %swap3A_230], %swap3A_233 {strides = array<i32>} : memref<8x1000x128xf32, #tpu.memory_space<vmem>>, vector<1x1000x128xf32>,
    %slice3A_234 = vector.extract_strided_slice %dot_general3A_5 {offsets = [0, 640], sizes = [1000, 128], strides = [1, 1]} : vector<1000x1024xf32> to vector<1000x128xf32>
    %get3A_235 = arith.constant 0 : index
    %get3A_236 = arith.constant 0 : index
    %get3A_237 = vector.load %arg3[%get3A_235, %get3A_236] : memref<1x128xf32, #tpu.memory_space<vmem>>, vector<1x128xf32>
    %add3A_238 = vector.broadcast %get3A_237 : vector<1x128xf32> to vector<1000x128xf32>
    %add3A_239 = arith.addf %slice3A_234, %add3A_238 : vector<1000x128xf32>
    %max3A_240 = arith.constant 0.000000e+00 : f32
    %max3A_241 = vector.broadcast %max3A_240 : f32 to vector<1000x128xf32>
    %max3A_242 = arith.maximumf %add3A_239, %max3A_241 : vector<1000x128xf32>
    %get3A_243 = arith.constant 0 : index
    %get3A_244 = arith.constant 0 : index
    %get3A_245 = vector.load %arg4[%get3A_243, %get3A_244] : memref<128x128xf32, #tpu.memory_space<vmem>>, vector<128x128xf32>
    %dot_general3A_246 = arith.constant dense<0.000000e+00> : vector<1000x128xf32>
    %dot_general3A_247 = tpu.matmul %max3A_242, %get3A_245, %dot_general3A_246 {dimension_numbers = #tpu.dot_dimension_numbers<[1], [0], [0], [1], [0, 0, 1, 1], [], []>, transpose_lhs_hint = false} : vector<1000x128xf32>, vector<128x128xf32>, vector<1000x128xf32> -> vector<1000x128xf32>
    %slice3A_248 = vector.extract_strided_slice %get3A_1 {offsets = [0, 80], sizes = [1000, 1], strides = [1, 1]} : vector<1000x128xf32> to vector<1000x1xf32>
    %jit3A_249 = arith.constant 0.000000e+00 : f32
    %jit3A_250 = arith.constant 1.000000e+00 : f32
    %max3A_251 = vector.broadcast %jit3A_249 : f32 to vector<1000x1xf32>
    %max3A_252 = arith.maximumf %max3A_251, %slice3A_248 : vector<1000x1xf32>
    %min3A_253 = vector.broadcast %jit3A_250 : f32 to vector<1000x1xf32>
    %min3A_254 = arith.minimumf %min3A_253, %max3A_252 : vector<1000x1xf32>
    %add3A_255 = arith.constant 0.00999999977 : f32
    %add3A_256 = vector.broadcast %add3A_255 : f32 to vector<1000x1xf32>
    %add3A_257 = arith.addf %min3A_254, %add3A_256 : vector<1000x1xf32>
    %get3A_258 = arith.constant 0 : index
    %get3A_259 = arith.constant 0 : index
    %get3A_260 = vector.load %arg5[%get3A_258, %get3A_259] : memref<1x128xf32, #tpu.memory_space<vmem>>, vector<1x128xf32>
    %add3A_261 = vector.broadcast %get3A_260 : vector<1x128xf32> to vector<1000x128xf32>
    %add3A_262 = arith.addf %dot_general3A_247, %add3A_261 : vector<1000x128xf32>
    %mul3A_263 = vector.broadcast %add3A_257 : vector<1000x1xf32> to vector<1000x128xf32>
    %mul3A_264 = arith.mulf %add3A_262, %mul3A_263 : vector<1000x128xf32>
    %get3A_265 = arith.constant 0 : index
    %get3A_266 = arith.constant 0 : index
    %get3A_267 = vector.load %arg6[%get3A_265, %get3A_266] : memref<128x128xf32, #tpu.memory_space<vmem>>, vector<128x128xf32>
    %dot_general3A_268 = arith.constant dense<0.000000e+00> : vector<1000x128xf32>
    %dot_general3A_269 = tpu.matmul %mul3A_264, %get3A_267, %dot_general3A_268 {dimension_numbers = #tpu.dot_dimension_numbers<[1], [0], [0], [1], [0, 0, 1, 1], [], []>, transpose_lhs_hint = false} : vector<1000x128xf32>, vector<128x128xf32>, vector<1000x128xf32> -> vector<1000x128xf32>
    %get3A_270 = arith.constant 0 : index
    %get3A_271 = arith.constant 0 : index
    %get3A_272 = vector.load %arg7[%get3A_270, %get3A_271] : memref<1x128xf32, #tpu.memory_space<vmem>>, vector<1x128xf32>
    %add3A_273 = vector.broadcast %get3A_272 : vector<1x128xf32> to vector<1000x128xf32>
    %add3A_274 = arith.addf %dot_general3A_269, %add3A_273 : vector<1000x128xf32>
    %swap3A_275 = arith.constant 5 : index
    %swap3A_276 = arith.constant 0 : index
    %swap3A_277 = arith.constant 0 : index
    %swap3A_278 = vector.load %arg8[%swap3A_275, %swap3A_276, %swap3A_277] : memref<8x1000x128xf32, #tpu.memory_space<vmem>>, vector<1x1000x128xf32>
    %swap3A_279 = vector.shape_cast %swap3A_278 : vector<1x1000x128xf32> to vector<1000x128xf32>
    %swap3A_280 = vector.shape_cast %add3A_274 : vector<1000x128xf32> to vector<1x1000x128xf32>
    tpu.vector_store %arg8[%swap3A_275, %swap3A_276, %swap3A_277], %swap3A_280 {strides = array<i32>} : memref<8x1000x128xf32, #tpu.memory_space<vmem>>, vector<1x1000x128xf32>,
    %slice3A_281 = vector.extract_strided_slice %dot_general3A_5 {offsets = [0, 768], sizes = [1000, 128], strides = [1, 1]} : vector<1000x1024xf32> to vector<1000x128xf32>
    %get3A_282 = arith.constant 0 : index
    %get3A_283 = arith.constant 0 : index
    %get3A_284 = vector.load %arg3[%get3A_282, %get3A_283] : memref<1x128xf32, #tpu.memory_space<vmem>>, vector<1x128xf32>
    %add3A_285 = vector.broadcast %get3A_284 : vector<1x128xf32> to vector<1000x128xf32>
    %add3A_286 = arith.addf %slice3A_281, %add3A_285 : vector<1000x128xf32>
    %max3A_287 = arith.constant 0.000000e+00 : f32
    %max3A_288 = vector.broadcast %max3A_287 : f32 to vector<1000x128xf32>
    %max3A_289 = arith.maximumf %add3A_286, %max3A_288 : vector<1000x128xf32>
    %get3A_290 = arith.constant 0 : index
    %get3A_291 = arith.constant 0 : index
    %get3A_292 = vector.load %arg4[%get3A_290, %get3A_291] : memref<128x128xf32, #tpu.memory_space<vmem>>, vector<128x128xf32>
    %dot_general3A_293 = arith.constant dense<0.000000e+00> : vector<1000x128xf32>
    %dot_general3A_294 = tpu.matmul %max3A_289, %get3A_292, %dot_general3A_293 {dimension_numbers = #tpu.dot_dimension_numbers<[1], [0], [0], [1], [0, 0, 1, 1], [], []>, transpose_lhs_hint = false} : vector<1000x128xf32>, vector<128x128xf32>, vector<1000x128xf32> -> vector<1000x128xf32>
    %slice3A_295 = vector.extract_strided_slice %get3A_1 {offsets = [0, 96], sizes = [1000, 1], strides = [1, 1]} : vector<1000x128xf32> to vector<1000x1xf32>
    %jit3A_296 = arith.constant 0.000000e+00 : f32
    %jit3A_297 = arith.constant 1.000000e+00 : f32
    %max3A_298 = vector.broadcast %jit3A_296 : f32 to vector<1000x1xf32>
    %max3A_299 = arith.maximumf %max3A_298, %slice3A_295 : vector<1000x1xf32>
    %min3A_300 = vector.broadcast %jit3A_297 : f32 to vector<1000x1xf32>
    %min3A_301 = arith.minimumf %min3A_300, %max3A_299 : vector<1000x1xf32>
    %add3A_302 = arith.constant 0.00999999977 : f32
    %add3A_303 = vector.broadcast %add3A_302 : f32 to vector<1000x1xf32>
    %add3A_304 = arith.addf %min3A_301, %add3A_303 : vector<1000x1xf32>
    %get3A_305 = arith.constant 0 : index
    %get3A_306 = arith.constant 0 : index
    %get3A_307 = vector.load %arg5[%get3A_305, %get3A_306] : memref<1x128xf32, #tpu.memory_space<vmem>>, vector<1x128xf32>
    %add3A_308 = vector.broadcast %get3A_307 : vector<1x128xf32> to vector<1000x128xf32>
    %add3A_309 = arith.addf %dot_general3A_294, %add3A_308 : vector<1000x128xf32>
    %mul3A_310 = vector.broadcast %add3A_304 : vector<1000x1xf32> to vector<1000x128xf32>
    %mul3A_311 = arith.mulf %add3A_309, %mul3A_310 : vector<1000x128xf32>
    %get3A_312 = arith.constant 0 : index
    %get3A_313 = arith.constant 0 : index
    %get3A_314 = vector.load %arg6[%get3A_312, %get3A_313] : memref<128x128xf32, #tpu.memory_space<vmem>>, vector<128x128xf32>
    %dot_general3A_315 = arith.constant dense<0.000000e+00> : vector<1000x128xf32>
    %dot_general3A_316 = tpu.matmul %mul3A_311, %get3A_314, %dot_general3A_315 {dimension_numbers = #tpu.dot_dimension_numbers<[1], [0], [0], [1], [0, 0, 1, 1], [], []>, transpose_lhs_hint = false} : vector<1000x128xf32>, vector<128x128xf32>, vector<1000x128xf32> -> vector<1000x128xf32>
    %get3A_317 = arith.constant 0 : index
    %get3A_318 = arith.constant 0 : index
    %get3A_319 = vector.load %arg7[%get3A_317, %get3A_318] : memref<1x128xf32, #tpu.memory_space<vmem>>, vector<1x128xf32>
    %add3A_320 = vector.broadcast %get3A_319 : vector<1x128xf32> to vector<1000x128xf32>
    %add3A_321 = arith.addf %dot_general3A_316, %add3A_320 : vector<1000x128xf32>
    %swap3A_322 = arith.constant 6 : index
    %swap3A_323 = arith.constant 0 : index
    %swap3A_324 = arith.constant 0 : index
    %swap3A_325 = vector.load %arg8[%swap3A_322, %swap3A_323, %swap3A_324] : memref<8x1000x128xf32, #tpu.memory_space<vmem>>, vector<1x1000x128xf32>
    %swap3A_326 = vector.shape_cast %swap3A_325 : vector<1x1000x128xf32> to vector<1000x128xf32>
    %swap3A_327 = vector.shape_cast %add3A_321 : vector<1000x128xf32> to vector<1x1000x128xf32>
    tpu.vector_store %arg8[%swap3A_322, %swap3A_323, %swap3A_324], %swap3A_327 {strides = array<i32>} : memref<8x1000x128xf32, #tpu.memory_space<vmem>>, vector<1x1000x128xf32>,
    %slice3A_328 = vector.extract_strided_slice %dot_general3A_5 {offsets = [0, 896], sizes = [1000, 128], strides = [1, 1]} : vector<1000x1024xf32> to vector<1000x128xf32>
    %get3A_329 = arith.constant 0 : index
    %get3A_330 = arith.constant 0 : index
    %get3A_331 = vector.load %arg3[%get3A_329, %get3A_330] : memref<1x128xf32, #tpu.memory_space<vmem>>, vector<1x128xf32>
    %add3A_332 = vector.broadcast %get3A_331 : vector<1x128xf32> to vector<1000x128xf32>
    %add3A_333 = arith.addf %slice3A_328, %add3A_332 : vector<1000x128xf32>
    %max3A_334 = arith.constant 0.000000e+00 : f32
    %max3A_335 = vector.broadcast %max3A_334 : f32 to vector<1000x128xf32>
    %max3A_336 = arith.maximumf %add3A_333, %max3A_335 : vector<1000x128xf32>
    %get3A_337 = arith.constant 0 : index
    %get3A_338 = arith.constant 0 : index
    %get3A_339 = vector.load %arg4[%get3A_337, %get3A_338] : memref<128x128xf32, #tpu.memory_space<vmem>>, vector<128x128xf32>
    %dot_general3A_340 = arith.constant dense<0.000000e+00> : vector<1000x128xf32>
    %dot_general3A_341 = tpu.matmul %max3A_336, %get3A_339, %dot_general3A_340 {dimension_numbers = #tpu.dot_dimension_numbers<[1], [0], [0], [1], [0, 0, 1, 1], [], []>, transpose_lhs_hint = false} : vector<1000x128xf32>, vector<128x128xf32>, vector<1000x128xf32> -> vector<1000x128xf32>
    %slice3A_342 = vector.extract_strided_slice %get3A_1 {offsets = [0, 112], sizes = [1000, 1], strides = [1, 1]} : vector<1000x128xf32> to vector<1000x1xf32>
    %jit3A_343 = arith.constant 0.000000e+00 : f32
    %jit3A_344 = arith.constant 1.000000e+00 : f32
    %max3A_345 = vector.broadcast %jit3A_343 : f32 to vector<1000x1xf32>
    %max3A_346 = arith.maximumf %max3A_345, %slice3A_342 : vector<1000x1xf32>
    %min3A_347 = vector.broadcast %jit3A_344 : f32 to vector<1000x1xf32>
    %min3A_348 = arith.minimumf %min3A_347, %max3A_346 : vector<1000x1xf32>
    %add3A_349 = arith.constant 0.00999999977 : f32
    %add3A_350 = vector.broadcast %add3A_349 : f32 to vector<1000x1xf32>
    %add3A_351 = arith.addf %min3A_348, %add3A_350 : vector<1000x1xf32>
    %get3A_352 = arith.constant 0 : index
    %get3A_353 = arith.constant 0 : index
    %get3A_354 = vector.load %arg5[%get3A_352, %get3A_353] : memref<1x128xf32, #tpu.memory_space<vmem>>, vector<1x128xf32>
    %add3A_355 = vector.broadcast %get3A_354 : vector<1x128xf32> to vector<1000x128xf32>
    %add3A_356 = arith.addf %dot_general3A_341, %add3A_355 : vector<1000x128xf32>
    %mul3A_357 = vector.broadcast %add3A_351 : vector<1000x1xf32> to vector<1000x128xf32>
    %mul3A_358 = arith.mulf %add3A_356, %mul3A_357 : vector<1000x128xf32>
    %get3A_359 = arith.constant 0 : index
    %get3A_360 = arith.constant 0 : index
    %get3A_361 = vector.load %arg6[%get3A_359, %get3A_360] : memref<128x128xf32, #tpu.memory_space<vmem>>, vector<128x128xf32>
    %dot_general3A_362 = arith.constant dense<0.000000e+00> : vector<1000x128xf32>
    %dot_general3A_363 = tpu.matmul %mul3A_358, %get3A_361, %dot_general3A_362 {dimension_numbers = #tpu.dot_dimension_numbers<[1], [0], [0], [1], [0, 0, 1, 1], [], []>, transpose_lhs_hint = false} : vector<1000x128xf32>, vector<128x128xf32>, vector<1000x128xf32> -> vector<1000x128xf32>
    %get3A_364 = arith.constant 0 : index
    %get3A_365 = arith.constant 0 : index
    %get3A_366 = vector.load %arg7[%get3A_364, %get3A_365] : memref<1x128xf32, #tpu.memory_space<vmem>>, vector<1x128xf32>
    %add3A_367 = vector.broadcast %get3A_366 : vector<1x128xf32> to vector<1000x128xf32>
    %add3A_368 = arith.addf %dot_general3A_363, %add3A_367 : vector<1000x128xf32>
    %swap3A_369 = arith.constant 7 : index
    %swap3A_370 = arith.constant 0 : index
    %swap3A_371 = arith.constant 0 : index
    %swap3A_372 = vector.load %arg8[%swap3A_369, %swap3A_370, %swap3A_371] : memref<8x1000x128xf32, #tpu.memory_space<vmem>>, vector<1x1000x128xf32>
    %swap3A_373 = vector.shape_cast %swap3A_372 : vector<1x1000x128xf32> to vector<1000x128xf32>
    %swap3A_374 = vector.shape_cast %add3A_368 : vector<1000x128xf32> to vector<1x1000x128xf32>
    tpu.vector_store %arg8[%swap3A_369, %swap3A_370, %swap3A_371], %swap3A_374 {strides = array<i32>} : memref<8x1000x128xf32, #tpu.memory_space<vmem>>, vector<1x1000x128xf32>,
    return
  }
  func.func @transform_0(%arg0: i32) -> (i32, i32) {
    %c0_i32 = arith.constant 0 : i32
    %c0_i32_0 = arith.constant 0 : i32
    return %arg0, %c0_i32 : i32, i32
  }
  func.func @transform_1(%arg0: i32) -> (i32, i32) {
    %c0_i32 = arith.constant 0 : i32
    %c0_i32_0 = arith.constant 0 : i32
    %c0_i32_1 = arith.constant 0 : i32
    return %c0_i32, %c0_i32_0 : i32, i32
  }
  func.func @transform_2(%arg0: i32) -> (i32, i32) {
    %c0_i32 = arith.constant 0 : i32
    %c0_i32_0 = arith.constant 0 : i32
    %c0_i32_1 = arith.constant 0 : i32
    return %c0_i32, %c0_i32_0 : i32, i32
  }
  func.func @transform_3(%arg0: i32) -> (i32, i32) {
    %c0_i32 = arith.constant 0 : i32
    %c0_i32_0 = arith.constant 0 : i32
    %c0_i32_1 = arith.constant 0 : i32
    return %c0_i32, %c0_i32_0 : i32, i32
  }
  func.func @transform_4(%arg0: i32) -> (i32, i32) {
    %c0_i32 = arith.constant 0 : i32
    %c0_i32_0 = arith.constant 0 : i32
    %c0_i32_1 = arith.constant 0 : i32
    return %c0_i32, %c0_i32_0 : i32, i32
  }
  func.func @transform_5(%arg0: i32) -> (i32, i32) {
    %c0_i32 = arith.constant 0 : i32
    %c0_i32_0 = arith.constant 0 : i32
    %c0_i32_1 = arith.constant 0 : i32
    return %c0_i32, %c0_i32_0 : i32, i32
  }
  func.func @transform_6(%arg0: i32) -> (i32, i32) {
    %c0_i32 = arith.constant 0 : i32
    %c0_i32_0 = arith.constant 0 : i32
    %c0_i32_1 = arith.constant 0 : i32
    return %c0_i32, %c0_i32_0 : i32, i32
  }
  func.func @transform_7(%arg0: i32) -> (i32, i32, i32) {
    %c0_i32 = arith.constant 0 : i32
    %c0_i32_0 = arith.constant 0 : i32
    %c0_i32_1 = arith.constant 0 : i32
    return %c0_i32, %arg0, %c0_i32_0 : i32, i32, i32
  }
}

module attributes {stable_mosaic.version = 14 : i64} {
  func.func @_node_mlp_body(%arg0: i32, %arg1: memref<2x2000x128xf32, #tpu.memory_space<vmem>>, %arg2: memref<2000x128xf32, #tpu.memory_space<vmem>>, %arg3: memref<128x128xf32, #tpu.memory_space<vmem>>, %arg4: memref<1x128xf32, #tpu.memory_space<vmem>>, %arg5: memref<1x128xf32, #tpu.memory_space<vmem>>, %arg6: memref<1x128xf32, #tpu.memory_space<vmem>>, %arg7: memref<128x128xf32, #tpu.memory_space<vmem>>, %arg8: memref<1x128xf32, #tpu.memory_space<vmem>>, %arg9: memref<2000x128xf32, #tpu.memory_space<vmem>>) attributes {dimension_semantics = [#tpu.dimension_semantics<arbitrary>], iteration_bounds = array<i64: 5>, scalar_prefetch = 0 : i64, scratch_operands = 0 : i64, tpu.core_type = #tpu.core_type<tc>, window_params = [{transform_indices = @transform_0, window_bounds = array<i64: 2, 2000, 128>}, {transform_indices = @transform_1, window_bounds = array<i64: 2000, 128>}, {pipeline_mode = #tpu.pipeline_mode<synchronous>, transform_indices = @transform_2, window_bounds = array<i64: 128, 128>}, {pipeline_mode = #tpu.pipeline_mode<synchronous>, transform_indices = @transform_3, window_bounds = array<i64: 1, 128>}, {pipeline_mode = #tpu.pipeline_mode<synchronous>, transform_indices = @transform_4, window_bounds = array<i64: 1, 128>}, {pipeline_mode = #tpu.pipeline_mode<synchronous>, transform_indices = @transform_5, window_bounds = array<i64: 1, 128>}, {pipeline_mode = #tpu.pipeline_mode<synchronous>, transform_indices = @transform_6, window_bounds = array<i64: 128, 128>}, {pipeline_mode = #tpu.pipeline_mode<synchronous>, transform_indices = @transform_7, window_bounds = array<i64: 1, 128>}, {transform_indices = @transform_8, window_bounds = array<i64: 2000, 128>}]} {
    %get3A = arith.constant 0 : index
    %get3A_0 = arith.constant 0 : index
    %get3A_1 = arith.constant 0 : index
    %get3A_2 = vector.load %arg1[%get3A, %get3A_0, %get3A_1] : memref<2x2000x128xf32, #tpu.memory_space<vmem>>, vector<1x2000x128xf32>
    %get3A_3 = vector.shape_cast %get3A_2 : vector<1x2000x128xf32> to vector<2000x128xf32>
    %get3A_4 = arith.constant 1 : index
    %get3A_5 = arith.constant 0 : index
    %get3A_6 = arith.constant 0 : index
    %get3A_7 = vector.load %arg1[%get3A_4, %get3A_5, %get3A_6] : memref<2x2000x128xf32, #tpu.memory_space<vmem>>, vector<1x2000x128xf32>
    %get3A_8 = vector.shape_cast %get3A_7 : vector<1x2000x128xf32> to vector<2000x128xf32>
    %add3A = arith.addf %get3A_3, %get3A_8 : vector<2000x128xf32>
    %get3A_9 = arith.constant 0 : index
    %get3A_10 = arith.constant 0 : index
    %get3A_11 = vector.load %arg2[%get3A_9, %get3A_10] : memref<2000x128xf32, #tpu.memory_space<vmem>>, vector<2000x128xf32>
    %add3A_12 = arith.addf %add3A, %get3A_11 : vector<2000x128xf32>
    %get3A_13 = arith.constant 0 : index
    %get3A_14 = arith.constant 0 : index
    %get3A_15 = vector.load %arg3[%get3A_13, %get3A_14] : memref<128x128xf32, #tpu.memory_space<vmem>>, vector<128x128xf32>
    %dot_general3A = arith.constant dense<0.000000e+00> : vector<2000x128xf32>
    %dot_general3A_16 = tpu.matmul %add3A_12, %get3A_15, %dot_general3A {dimension_numbers = #tpu.dot_dimension_numbers<[1], [0], [0], [1], [0, 0, 1, 1], [], []>, transpose_lhs_hint = false} : vector<2000x128xf32>, vector<128x128xf32>, vector<2000x128xf32> -> vector<2000x128xf32>
    %get3A_17 = arith.constant 0 : index
    %get3A_18 = arith.constant 0 : index
    %get3A_19 = vector.load %arg4[%get3A_17, %get3A_18] : memref<1x128xf32, #tpu.memory_space<vmem>>, vector<1x128xf32>
    %add3A_20 = vector.broadcast %get3A_19 : vector<1x128xf32> to vector<2000x128xf32>
    %add3A_21 = arith.addf %dot_general3A_16, %add3A_20 : vector<2000x128xf32>
    %reduce_sum3A = arith.constant dense<0.000000e+00> : vector<2000xf32>
    %reduce_sum3A_22 = vector.multi_reduction <add>, %add3A_21, %reduce_sum3A [1] : vector<2000x128xf32> to vector<2000xf32>
    %broadcast_in_dim3A = vector.shape_cast %reduce_sum3A_22 : vector<2000xf32> to vector<2000x1xf32>
    %div3A = arith.constant 1.280000e+02 : f32
    %div3A_23 = vector.broadcast %div3A : f32 to vector<2000x1xf32>
    %div3A_24 = arith.divf %broadcast_in_dim3A, %div3A_23 : vector<2000x1xf32>
    %sub3A = vector.broadcast %div3A_24 : vector<2000x1xf32> to vector<2000x128xf32>
    %sub3A_25 = arith.subf %add3A_21, %sub3A : vector<2000x128xf32>
    %mul3A = arith.mulf %sub3A_25, %sub3A_25 : vector<2000x128xf32>
    %reduce_sum3A_26 = arith.constant dense<0.000000e+00> : vector<2000xf32>
    %reduce_sum3A_27 = vector.multi_reduction <add>, %mul3A, %reduce_sum3A_26 [1] : vector<2000x128xf32> to vector<2000xf32>
    %broadcast_in_dim3A_28 = vector.shape_cast %reduce_sum3A_27 : vector<2000xf32> to vector<2000x1xf32>
    %div3A_29 = arith.constant 1.280000e+02 : f32
    %div3A_30 = vector.broadcast %div3A_29 : f32 to vector<2000x1xf32>
    %div3A_31 = arith.divf %broadcast_in_dim3A_28, %div3A_30 : vector<2000x1xf32>
    %add3A_32 = arith.constant 9.99999974E-6 : f32
    %add3A_33 = vector.broadcast %add3A_32 : f32 to vector<2000x1xf32>
    %add3A_34 = arith.addf %div3A_31, %add3A_33 : vector<2000x1xf32>
    %rsqrt3A = math.rsqrt %add3A_34 : vector<2000x1xf32>
    %mul3A_35 = vector.broadcast %rsqrt3A : vector<2000x1xf32> to vector<2000x128xf32>
    %mul3A_36 = arith.mulf %sub3A_25, %mul3A_35 : vector<2000x128xf32>
    %get3A_37 = arith.constant 0 : index
    %get3A_38 = arith.constant 0 : index
    %get3A_39 = vector.load %arg5[%get3A_37, %get3A_38] : memref<1x128xf32, #tpu.memory_space<vmem>>, vector<1x128xf32>
    %mul3A_40 = vector.broadcast %get3A_39 : vector<1x128xf32> to vector<2000x128xf32>
    %mul3A_41 = arith.mulf %mul3A_36, %mul3A_40 : vector<2000x128xf32>
    %get3A_42 = arith.constant 0 : index
    %get3A_43 = arith.constant 0 : index
    %get3A_44 = vector.load %arg6[%get3A_42, %get3A_43] : memref<1x128xf32, #tpu.memory_space<vmem>>, vector<1x128xf32>
    %add3A_45 = vector.broadcast %get3A_44 : vector<1x128xf32> to vector<2000x128xf32>
    %add3A_46 = arith.addf %mul3A_41, %add3A_45 : vector<2000x128xf32>
    %max3A = arith.constant 0.000000e+00 : f32
    %max3A_47 = vector.broadcast %max3A : f32 to vector<2000x128xf32>
    %max3A_48 = arith.maximumf %add3A_46, %max3A_47 : vector<2000x128xf32>
    %get3A_49 = arith.constant 0 : index
    %get3A_50 = arith.constant 0 : index
    %get3A_51 = vector.load %arg7[%get3A_49, %get3A_50] : memref<128x128xf32, #tpu.memory_space<vmem>>, vector<128x128xf32>
    %dot_general3A_52 = arith.constant dense<0.000000e+00> : vector<2000x128xf32>
    %dot_general3A_53 = tpu.matmul %max3A_48, %get3A_51, %dot_general3A_52 {dimension_numbers = #tpu.dot_dimension_numbers<[1], [0], [0], [1], [0, 0, 1, 1], [], []>, transpose_lhs_hint = false} : vector<2000x128xf32>, vector<128x128xf32>, vector<2000x128xf32> -> vector<2000x128xf32>
    %get3A_54 = arith.constant 0 : index
    %get3A_55 = arith.constant 0 : index
    %get3A_56 = vector.load %arg8[%get3A_54, %get3A_55] : memref<1x128xf32, #tpu.memory_space<vmem>>, vector<1x128xf32>
    %add3A_57 = vector.broadcast %get3A_56 : vector<1x128xf32> to vector<2000x128xf32>
    %add3A_58 = arith.addf %dot_general3A_53, %add3A_57 : vector<2000x128xf32>
    %swap3A = arith.constant 0 : index
    %swap3A_59 = arith.constant 0 : index
    %swap3A_60 = vector.load %arg9[%swap3A, %swap3A_59] : memref<2000x128xf32, #tpu.memory_space<vmem>>, vector<2000x128xf32>
    tpu.vector_store %arg9[%swap3A, %swap3A_59], %add3A_58 {strides = array<i32>} : memref<2000x128xf32, #tpu.memory_space<vmem>>, vector<2000x128xf32>,
    return
  }
  func.func @transform_0(%arg0: i32) -> (i32, i32, i32) {
    %c0_i32 = arith.constant 0 : i32
    %c0_i32_0 = arith.constant 0 : i32
    %c0_i32_1 = arith.constant 0 : i32
    return %c0_i32, %arg0, %c0_i32_0 : i32, i32, i32
  }
  func.func @transform_1(%arg0: i32) -> (i32, i32) {
    %c0_i32 = arith.constant 0 : i32
    %c0_i32_0 = arith.constant 0 : i32
    return %arg0, %c0_i32 : i32, i32
  }
  func.func @transform_2(%arg0: i32) -> (i32, i32) {
    %c0_i32 = arith.constant 0 : i32
    %c0_i32_0 = arith.constant 0 : i32
    %c0_i32_1 = arith.constant 0 : i32
    return %c0_i32, %c0_i32_0 : i32, i32
  }
  func.func @transform_3(%arg0: i32) -> (i32, i32) {
    %c0_i32 = arith.constant 0 : i32
    %c0_i32_0 = arith.constant 0 : i32
    %c0_i32_1 = arith.constant 0 : i32
    return %c0_i32, %c0_i32_0 : i32, i32
  }
  func.func @transform_4(%arg0: i32) -> (i32, i32) {
    %c0_i32 = arith.constant 0 : i32
    %c0_i32_0 = arith.constant 0 : i32
    %c0_i32_1 = arith.constant 0 : i32
    return %c0_i32, %c0_i32_0 : i32, i32
  }
  func.func @transform_5(%arg0: i32) -> (i32, i32) {
    %c0_i32 = arith.constant 0 : i32
    %c0_i32_0 = arith.constant 0 : i32
    %c0_i32_1 = arith.constant 0 : i32
    return %c0_i32, %c0_i32_0 : i32, i32
  }
  func.func @transform_6(%arg0: i32) -> (i32, i32) {
    %c0_i32 = arith.constant 0 : i32
    %c0_i32_0 = arith.constant 0 : i32
    %c0_i32_1 = arith.constant 0 : i32
    return %c0_i32, %c0_i32_0 : i32, i32
  }
  func.func @transform_7(%arg0: i32) -> (i32, i32) {
    %c0_i32 = arith.constant 0 : i32
    %c0_i32_0 = arith.constant 0 : i32
    %c0_i32_1 = arith.constant 0 : i32
    return %c0_i32, %c0_i32_0 : i32, i32
  }
  func.func @transform_8(%arg0: i32) -> (i32, i32) {
    %c0_i32 = arith.constant 0 : i32
    %c0_i32_0 = arith.constant 0 : i32
    return %arg0, %c0_i32 : i32, i32
  }
}

</mosaic_0001>

<sc_bundles>
// kernel: kernel.5.cloned.1.call-start
scs
__scs_entry_jumppad:
0x0: {  	(pc) =	sbr.rel $0x88, $3  }
0x1: {  	(tag) =	ssettag $0x0;
	lr =	simm.s32 $0x1  }
0x2: {  	[smem:$0x3F92] =	sst lr;
	_ =	strace $0xD0000000  }
0x3: {  	_ = 	snop  }
0x4: {  	_ = 	snop  }
0x5: {  	_ = 	snop  }
0x6: {  	_ = 	snop  }
0x7: {  	_ = 	snop  }
__scs_overlays_trampoline_lowered:
0x8: {  	[smem:$0x3FA1] =	sst s0  }
0x9: {  	[smem:$0x3FA2] =	sst s1  }
0xa: {  	[smem:$0x3FA3] =	sst s2  }
0xb: {  	[smem:$0x3FA4] =	sst s3  }
0xc: {  	[smem:$0x3FA5] =	sst s4  }
0xd: {  	[smem:$0x3FA6] =	sst s5  }
0xe: {  	[smem:$0x3FA7] =	sst s6  }
0xf: {  	[smem:$0x3FA8] =	sst s7  }
0x10: {  	[smem:$0x3FA9] =	sst s8  }
0x11: {  	[smem:$0x3FAA] =	sst s9;
	s0 =	simm.s32 @!p0 $0x0  }
0x12: {  	s1 =	sld [smem:$0x3F90];
	s0 =	simm.s32 @p0 $0x1  }
0x13: {  	[smem:$0x3FAB] =	sst s0;
	s0 =	simm.s32 @!p1 $0x0  }
0x14: {  	s2 =	sld [smem:$0x3F8F];
	s0 =	simm.s32 @p1 $0x1  }
0x15: {  	[smem:$0x3FAC] =	sst s0;
	s0 =	simm.s32 @!p2 $0x0  }
0x16: {  	s3 =	sld [smem:$0x3FDB];
	s0 =	simm.s32 @p2 $0x1  }
0x17: {  	s4 =	simm.s32 $0x1BF5;
	[smem:$0x3FAE] =	sst s0  }
0x18: {  	s0 =	sld [smem:$0x3F91];
	_ =	swait.ge [sflag:s4], $0x0  }
0x19: {  	s7 =	sld [smem:$0x3F92]  }
0x1a: {  	s8 =	sadd.s32 $0xFFFFE003, lr  }
0x1b: {  	s9 =	sadd.s32 $0xFFFFFEF7, lr;
	s5 =	simm.s32 $0xFFFFFFFF;
	p2 =	slt.u32 s8, $0xFFFFF086  }
0x1c: {  	p1 =	slt.u32 s9, $0xF7A;
	s5 =	simm.s32 @!p2 $0x0  }
0x1d: {  	s5 =	simm.s32 @p1 $0x1;
	p0 =	seq.s32 s7, s2  }
0x1e: {  	s7 =	smul.u32 @!p0 $0xF7A, s2;
	p2 =	seq.s32 @!p0 s5, $0x0  }
0x1f: {  	s9 =	smul.u32 $0xF7A, s1;
	s8 =	simm.s32 @!p0 $0x1BF5;
	p2 =	por !p2, p0  }
0x20: {  	[sflag:s8] =	ssyncset.s32 @!p0 $0xFFFFF086;
	s6 =	sadd.s32 @!p0 s3, s7;
	s7 =	simm.s32 @!p0 $0x108  }
0x21: {  	s3 =	sadd.s32 s3, s9;
	s6 =	sadd.s32 @!p0 $0x88, s6;
	s7 =	simm.s32 @p2 $0x1082  }
0x22: {  	[simem:s7], [sflag:s8] =	dma.local @!p0 [hbm:s6], $0xF7A  }
0x23: {  	s9 =	sor.u32 $0xD0000000, s2;
	s6 =	simm.s32 $0x108;
	_ =	swait.ge @!p0 [sflag:s8], $0x0  }
0x24: {  	s3 =	sadd.s32 $0x88, s3;
	s6 =	simm.s32 @!p1 $0x1082;
	[sflag:s4] =	ssyncset.s32 $0xFFFFF086  }
0x25: {  	[simem:s6], [sflag:s4] =	dma.local [hbm:s3], $0xF7A  }
0x26: {  	[smem:$0x3F92] =	sst s1;
	(tag) =	ssettag s2;
	_ =	strace s9  }
0x27: {  	s1 =	sld [smem:$0x3FA2]  }
0x28: {  	s2 =	sld [smem:$0x3FA3]  }
0x29: {  	s4 =	sld [smem:$0x3FA5]  }
0x2a: {  	p0 =	seq.s32 s5, $0x0;
	s5 =	sld [smem:$0x3FA6]  }
0x2b: {  	s6 =	sld [smem:$0x3FA7]  }
0x2c: {  	s7 =	sld [smem:$0x3FA8]  }
0x2d: {  	s3 =	simm.s32 $0x108;
	s8 =	sld [smem:$0x3FA9]  }
0x2e: {  	s3 =	simm.s32 @!p0 $0x1082;
	s9 =	sld [smem:$0x3FAA]  }
0x2f: {  	lr =	sadd.s32 s0, s3;
	s0 =	sld [smem:$0x3FA1]  }
0x30: {  	s3 =	sld [smem:$0x3FA4]  }
0x31: {  	[smem:$0x3FAD] =	sst s10  }
0x32: {  	s10 =	sld [smem:$0x3FAB];
	_ =	sdelay $0x3  }
0x33: {  	p0 =	seq.s32 s10, $0x1;
	s10 =	sld [smem:$0x3FAD];
	_ =	sdelay $0x3  }
0x34: {  	[smem:$0x3FAD] =	sst s10  }
0x35: {  	s10 =	sld [smem:$0x3FAC];
	_ =	sdelay $0x3  }
0x36: {  	p1 =	seq.s32 s10, $0x1;
	s10 =	sld [smem:$0x3FAD];
	_ =	sdelay $0x3  }
0x37: {  	[smem:$0x3FAD] =	sst s10  }
0x38: {  	s10 =	sld [smem:$0x3FAE]  }
0x39: {  	_ = 	snop;
	(pc) =	sbr.ind lr, $3  }
0x3a: {  	_ = 	snop  }
0x3b: {  	_ = 	snop  }
0x3c: {  	p2 =	seq.s32 s10, $0x1;
	s10 =	sld [smem:$0x3FAD]  }
0x3d: {  	_ =	shalt  }
0x3e: {  	_ =	shalt  }
0x3f: {  	_ =	shalt  }
0x40: {  	_ =	shalt  }
0x41: {  	_ =	shalt  }
0x42: {  	_ =	shalt  }
0x43: {  	_ =	shalt  }
0x44: {  	_ =	shalt  }
0x45: {  	_ =	shalt  }
0x46: {  	_ =	shalt  }
0x47: {  	_ =	shalt  }
0x48: {  	_ =	shalt  }
0x49: {  	_ =	shalt  }
0x4a: {  	_ =	shalt  }
0x4b: {  	_ =	shalt  }
0x4c: {  	_ =	shalt  }
0x4d: {  	_ =	shalt  }
0x4e: {  	_ =	shalt  }
0x4f: {  	_ =	shalt  }
0x50: {  	_ =	shalt  }
0x51: {  	_ =	shalt  }
0x52: {  	_ =	shalt  }
0x53: {  	_ =	shalt  }
0x54: {  	_ =	shalt  }
0x55: {  	_ =	shalt  }
0x56: {  	_ =	shalt  }
0x57: {  	_ =	shalt  }
0x58: {  	_ =	shalt  }
0x59: {  	_ =	shalt  }
0x5a: {  	_ =	shalt  }
0x5b: {  	_ =	shalt  }
0x5c: {  	_ =	shalt  }
0x5d: {  	_ =	shalt  }
0x5e: {  	_ =	shalt  }
0x5f: {  	_ =	shalt  }
0x60: {  	_ =	shalt  }
0x61: {  	_ =	shalt  }
0x62: {  	_ =	shalt  }
0x63: {  	_ =	shalt  }
0x64: {  	_ =	shalt  }
0x65: {  	_ =	shalt  }
0x66: {  	_ =	shalt  }
0x67: {  	_ =	shalt  }
0x68: {  	_ =	shalt  }
0x69: {  	_ =	shalt  }
0x6a: {  	_ =	shalt  }
0x6b: {  	_ =	shalt  }
0x6c: {  	_ =	shalt  }
0x6d: {  	_ =	shalt  }
0x6e: {  	_ =	shalt  }
0x6f: {  	_ =	shalt  }
0x70: {  	_ =	shalt  }
0x71: {  	_ =	shalt  }
0x72: {  	_ =	shalt  }
0x73: {  	_ =	shalt  }
0x74: {  	_ =	shalt  }
0x75: {  	_ =	shalt  }
0x76: {  	_ =	shalt  }
0x77: {  	_ =	shalt  }
0x78: {  	_ =	shalt  }
0x79: {  	_ =	shalt  }
0x7a: {  	_ =	shalt  }
0x7b: {  	_ =	shalt  }
0x7c: {  	_ =	shalt  }
0x7d: {  	_ =	shalt  }
0x7e: {  	_ =	shalt  }
0x7f: {  	_ =	shalt  }
0x80: {  	_ =	shalt  }
0x81: {  	_ =	shalt  }
0x82: {  	_ =	shalt  }
0x83: {  	_ =	shalt  }
0x84: {  	_ =	shalt  }
0x85: {  	_ =	shalt  }
0x86: {  	_ =	shalt  }
0x87: {  	_ =	shalt  }
.Lfunc_end0:
.L_simem_size_0:
called_computation_lowered:
.L_overlay_start_0:
0x88: {  	s2 =	sld [smem:$0x3FD9]  }
0x89: {  	s3 =	sld [smem:$0x3FFE];
	_ =	sdelay $0x1  }
0x8a: {  	s1 =	srdreg.scid  }
0x8b: {  	s0 =	sand.u32 $0x1, s1  }
0x8c: {  	s17 =	sshll.u32 s0, $0xA;
	s2 =	sadd.s32 s3, s2  }
0x8d: {  	s2 =	sadd.s32 s2, s17  }
0x8e: {  	[smem:$0x3FB9] =	sst s2  }
0x8f: {  	_ = 	snop  }
0x90: {  	s2 =	sld [smem:$0x3FD0];
	(tm) =	ssettm $0x1  }
0x91: {  	s18 =	sld [smem:$0x3FFB];
	_ =	sdelay $0x3  }
0x92: {  	_ =	strace s18  }
0x93: {  	s3 =	sld [smem:$0x3FFC];
	_ =	sdelay $0x3  }
0x94: {  	_ =	strace s3  }
0x95: {  	s3 =	sld [smem:$0x3FFD];
	_ =	sdelay $0x3  }
0x96: {  	_ =	strace s3  }
0x97: {  	_ =	strace $0x8FFFFFFF  }
0x98: {  	s19 =	sld [smem:$0x3FDB];
	_ =	sdelay $0x1  }
0x99: {  	s4 =	simm.s32 $_scs_section_size  }
0x9a: {  	s5 =	simm.s32 $_size__tile_overlayer_lowered;
	s6 =	simm.s32 $_tile_overlayer_lowered  }
0x9b: {  	s22 =	simm.s32 $0x1BFF;
	s21 =	sshll.u32 s6, $0x1;
	s3 =	sadd.s32 s4, s19  }
0x9c: {  	s7 =	simm.s32 $0x0;
	s20 =	sshll.u32 s5, $0x1;
	s5 =	sadd.s32 s21, s3  }
0x9d: {  	[timem:s7], [sflag:s22] =	dma.local [hbm:s5], s20  }
0x9e: {  	_ =	swait.ge [sflag:s22], s20  }
0x9f: {  	s4 =	ssub.s32 $0x0, s20;
	[sflag:s22] =	ssyncset.done $0x0  }
0xa0: {  	[sflag:s22] =	ssyncadd.s32 s4;
	_ =	sdelay $0x1  }
0xa1: {  	s23 =	simm.s32 $0x1B8B  }
0xa2: {  	_ =	swait.ge [sflag:s23], $0x1  }
0xa3: {  	[sflag:s23] =	ssyncset.done $0x0  }
0xa4: {  	s25 =	simm.s32 $0x1B8E;
	s24 =	sld [smem:$0x3FFE];
	[sflag:s23] =	ssyncadd.s32 $0xFFFFFFFF  }
0xa5: {  	s26 =	simm.s32 $execute0_lowered;
	[smem:$0x3FD2] =	sst s25  }
0xa6: {  	s5 =	sshll.u32 s26, $0x1;
	_ =	strace $0x80000046;
	[dreg:$0x1] =	wrdreg $0xFFFFFFFF  }
0xa7: {  	s28 =	simm.s32 $_size_execute0_lowered;
	s3 =	sadd.s32 s3, s5;
	[dreg:$0x0] =	wrdreg $0x0  }
0xa8: {  	s5 =	sshll.u32 s28, $0x1;
	[dreg:$0x2] =	wrdreg s3  }
0xa9: {  	[dreg:$0x3] =	wrdreg s5  }
0xaa: {  	[dreg:$0x4] =	wrdreg $0xC0  }
0xab: {  	_ =	task [dreg:s7], $0x5FFFF  }
0xac: {  	[dreg:$0x1] =	wrdreg $0xFFFFFFFF  }
0xad: {  	[dreg:$0x0] =	wrdreg $0x60  }
0xae: {  	[dreg:$0x2] =	wrdreg s24  }
0xaf: {  	[dreg:$0x3] =	wrdreg s2  }
0xb0: {  	[dreg:$0x4] =	wrdreg $0xA3000  }
0xb1: {  	[dreg:$0x5] =	wrdreg $0x9  }
0xb2: {  	_ =	task.clear_ibuf [dreg:s7], $0x6FFFF;
	_ =	strace $0x90000046  }
0xb3: {  	s29 =	simm.s32 $0x9;
	_ =	strace $0x80000048  }
0xb4: {  	_ =	swait.ge [sflag:s29], $0x1  }
0xb5: {  	[sflag:s29] =	ssyncadd.s32 $0xFFFFFFFF  }
0xb6: {  	_ =	strace $0x90000048  }
0xb7: {  	_ =	sfence  }
0xb8: {  	s30 =	sld [smem:$0x0];
	_ =	sdelay $0x2  }
0xb9: {  	s31 =	sshll.u32 s1, $0xD;
	s1 =	sshrl.u32 s1, $0x2  }
0xba: {  	s3 =	sand.u32 $0x4000, s31;
	s1 =	sadd.s32 s1, s30  }
0xbb: {  	s0 =	sor.u32 s3, s0;
	s1 =	sshll.u32 s1, $0x11  }
0xbc: {  	s0 =	sor.u32 s1, s0  }
0xbd: {  	s0 =	sadd.s32 $0x8F2B, s0  }
0xbe: {  	[sflag:s0] =	ssyncadd.remote.s32 $0x1  }
0xbf: {  	_ =	sfence.sel $0xFFFF  }
0xc0: {  	[dreg:$0x0] =	wrdreg $0xFFFFFFFF;
	(pc) =	sbr.abs _section_cstart, $3  }
0xc1: {  	[dreg:$0x1] =	wrdreg $0xFFFFFFFF  }
0xc2: {  	_ =	task.clear_ibuf [dreg:s7], $0x2FFFF;
	_ =	strace $0x9FFFFFFF  }
0xc3: {  	(tm) =	ssettm $0x7FFFFFFF  }
tec
execute0_lowered:
.L_overlay_start_1:
0x0: {  	(tag) =	ssettag $0x1  }
0x1: {  	s0 =	rddreg [dreg:$0x0]  }
0x2: {  	s1 =	rddreg [dreg:$0x1]  }
0x3: {  	s3 =	rddreg [dreg:$0x2];
	s4 =	simm.s32 $0x0;
	s14 =	stileid.u32  }
0x4: {  	s7 =	srdreg.scid;
	s28 =	simm.s32 $0x1;
	s29 =	simm.s32 $0x3  }
0x5: {  	s30 =	simm.s32 $0x5;
	s31 =	simm.s32 $0x50;
	s15 =	simm.s32 $0x8  }
0x6: {  	[smem:$0x7FF] =	sst s4;
	s2 =	smul.u32 $0x2800, s14;
	s5 =	sadd.s32 $0xC000, s0  }
0x7: {  	s6 =	sadd.s32 $0x2200, s0;
	s8 =	sand.u32 $0x1, s7;
	s7 =	sadd.s32 $0x34000, s0  }
0x8: {  	s12 =	smul.u32 $0x50000, s14;
	s19 =	sshll.u32 s14, $0x6;
	_ =	strace $0x80000047  }
0x9: {  	s10 =	smul.u32 $0x28000, s8;
	s11 =	ssub.s32 $0x2, s8;
	s8 =	sshll.u32 s8, $0x4  }
0xa: {  	s16 =	sor.u32 $0x1C0B, s19;
	s19 =	simm.s32 $0xB;
	s9 =	sadd.s32 s2, s0  }
0xb: {  	s17 =	sshrl.u32 s11, $0x1;
	s13 =	sor.u32 s14, s8;
	s18 =	sshrl.u32 s12, $0x2  }
0xc: {  	s14 =	simm.s32 $0xA;
	[dreg:$0x5] =	wrdreg s16;
	s0 =	sadd.s32 s10, s0  }
0xd: {  	s10 =	ssub.s32 s11, s17;
	s8 =	smul.u32 $0x2710, s13;
	s11 =	sadd.s32 s18, s3  }
0xe: {  	s9 =	sadd.s32 $0x516000, s9;
	s21 =	smul.u32 $0x27100, s13;
	s13 =	simm.s32 $0x9  }
0xf: {  	[dreg:$0x4] =	wrdreg s9;
	s0 =	sadd.s32 $0x53E000, s0;
	s26 =	smax.u32 s10, $0x1  }
0x10: {  	s18 =	sshrl.u32 s11, $0x3;
	s11 =	simm.s32 $0x7;
	s20 =	sshrl.u32 s8, $0x3  }
0x11: {  	s23 =	sadd.s32 $0x50, s8;
	s12 =	sadd.s32 s7, s21;
	s17 =	sadd.s32 $0xA0, s8  }
0x12: {  	[dreg:$0xc] =	wrdreg s26;
	s21 =	simm.s32 $0x100;
	s0 =	sadd.s32 s2, s0  }
0x13: {  	s2 =	simm.s32 $0x2;
	s26 =	simm.s32 $0x6;
	[dreg:$0xd] =	wrdreg s18  }
0x14: {  	s22 =	sadd.s32 s1, s20;
	s9 =	sadd.s32 s6, s20;
	[dreg:$0x8] =	wrdreg s12  }
0x15: {  	s24 =	sshrl.u32 s23, $0x3;
	[dreg:$0xe] =	wrdreg s0;
	s0 =	simm.s32 $0x5300  }
.Ltmp0:
0x16: {  	s20 =	simm.s32 $0x0;
	[dreg:$0x6] =	wrdreg s22;
	(pc) =	sbr.rel .LBB2_1-.Ltmp0, $4  }
0x17: {  	[dreg:$0x7] =	wrdreg s9;
	s9 =	sshll.u32 s23, $0x4;
	s25 =	sadd.s32 s1, s24  }
0x18: {  	s12 =	sadd.s32 s6, s24;
	s22 =	simm.s32 $0x300;
	[dreg:$0x9] =	wrdreg s25  }
0x19: {  	[dreg:$0xa] =	wrdreg s12;
	s9 =	sadd.s32 s7, s9;
	s25 =	simm.s32 $0x4  }
0x1a: {  	s12 =	simm.s32 $0x200;
	[dreg:$0xb] =	wrdreg s9;
	s9 =	simm.s32 $0x7B00  }
.LBB2_13:
0x1b: {  	_ =	swait.ge [sflag:s13], $0x2800  }
0x1c: {  	[sflag:s13] =	ssyncset.done $0x0  }
0x1d: {  	[sflag:s13] =	ssyncadd.s32 $0xFFFFD800  }
0x1e: {  	_ =	swait.ge [sflag:s14], $0x2800  }
0x1f: {  	[sflag:s14] =	ssyncset.done $0x0  }
0x20: {  	[sflag:s14] =	ssyncadd.s32 $0xFFFFD800  }
0x21: {  	[bflag:$0x0] =	sbarrier.arrive $0xFFFF  }
0x22: {  	s16 =	rddreg [dreg:$0x5]  }
0x23: {  	s18 =	rddreg [dreg:$0xd]  }
0x24: {  	s19 =	simm.s32 $0xB;
	s10 =	rddreg [dreg:$0xe]  }
0x25: {  	[hbm:s10], [sflag:s16] =	dma.local [spmem:s18], $0x2800  }
0x26: {  	_ =	swait.ge [sflag:s19], $0x2800  }
0x27: {  	s20 =	rddreg [dreg:$0xf]  }
0x28: {  	s24 =	rddreg [dreg:$0xc];
	s20 =	sadd.s32 $0x1, s20  }
0x29: {  	p0 =	sne.s32 s20, s24  }
.Ltmp1:
0x2a: {  	_ = 	snop;
	(pc) =	sbr.rel @!p0 .LBB2_14-.Ltmp1, $3  }
0x2b: {  	_ =	sdelay $0x1  }
0x2c: {  	[sflag:s19] =	ssyncset.done $0x0  }
0x2d: {  	[sflag:s19] =	ssyncadd.s32 $0xFFFFD800  }
.LBB2_1:
0x2e: {  	[dreg:$0xf] =	wrdreg s20  }
0x2f: {  	s10 =	rddreg [dreg:$0x4]  }
0x30: {  	[spmem:s18], [sflag:s16] =	dma.local [hbm:s10], $0x2800  }
0x31: {  	_ =	swait.ge [sflag:s19], $0x2800  }
0x32: {  	[sflag:s19] =	ssyncset.done $0x0  }
0x33: {  	[sflag:s19] =	ssyncadd.s32 $0xFFFFD800  }
0x34: {  	[bflag:$0x0] =	sbarrier.arrive $0xFFFF  }
0x35: {  	s20 =	rddreg [dreg:$0x6]  }
0x36: {  	[tilespmem:s4], [sflag:$0x1] =	stream.linear.gather [hbm4b:s20+s4], $0x50, $0x38;
	[tilespmem:$0x1E300] =	vst v63  }
0x37: {  	s23 =	rddreg [dreg:$0x7]  }
0x38: {  	[tilespmem:s21], [sflag:$0x3] =	stream.linear.gather [hbm4b:s23+s4], $0x50, $0x38;
	[tilespmem:$0x1E300] =	vst v63  }
0x39: {  	s24 =	rddreg [dreg:$0x8]  }
0x3a: {  	[tilespmem:s22], [sflag:$0x5] =	stream.linear.gather [hbm4b:s24+s4], $0x2800, $0x38;
	[tilespmem:$0x1E300] =	vst v63  }
0x3b: {  	s18 =	simm.s32 $0x80;
	s16 =	rddreg [dreg:$0x9]  }
0x3c: {  	[tilespmem:s18], [sflag:$0x2] =	stream.linear.gather [hbm4b:s16+s4], $0x50, $0x38;
	[tilespmem:$0x1E300] =	vst v63  }
0x3d: {  	s19 =	rddreg [dreg:$0xa];
	s20 =	simm.s32 $0x180  }
0x3e: {  	[tilespmem:s20], [sflag:$0x4] =	stream.linear.gather [hbm4b:s19+s4], $0x50, $0x38;
	[tilespmem:$0x1E300] =	vst v63  }
0x3f: {  	s23 =	rddreg [dreg:$0xb];
	s24 =	simm.s32 $0x2B00  }
0x40: {  	[tilespmem:s24], [sflag:$0x6] =	stream.linear.gather [hbm4b:s23+s4], $0x2800, $0x38;
	[tilespmem:$0x1E300] =	vst v63  }
0x41: {  	s24 =	simm.s32 $0x0  }
.LBB2_2:
0x42: {  	p0 =	seq.s32 s24, $0x0  }
.Ltmp2:
0x43: {  	_ = 	snop;
	(pc) =	sbr.rel @p0 .LBB2_7-.Ltmp2, $1  }
0x44: {  	_ =	sdelay $0x3  }
0x45: {  	_ =	swait.ge [sflag:s13], $0x2800  }
0x46: {  	[sflag:s13] =	ssyncset.done $0x0  }
0x47: {  	[sflag:s13] =	ssyncadd.s32 $0xFFFFD800  }
0x48: {  	_ =	swait.ge [sflag:s28], $0x50  }
0x49: {  	[sflag:s28] =	ssyncset.done $0x0  }
0x4a: {  	[sflag:s28] =	ssyncadd.s32 $0xFFFFFFB0  }
0x4b: {  	_ =	swait.ge [sflag:s29], $0x50  }
0x4c: {  	[sflag:s29] =	ssyncset.done $0x0  }
0x4d: {  	[sflag:s29] =	ssyncadd.s32 $0xFFFFFFB0  }
0x4e: {  	_ =	swait.ge [sflag:s30], $0x2800  }
0x4f: {  	[sflag:s30] =	ssyncset.done $0x0  }
0x50: {  	[sflag:s30] =	ssyncadd.s32 $0xFFFFD800  }
0x51: {  	[tilespmem:s0], [sflag:$0x7] =	stream.indirect.gather [hbm4b:s5+s31], $0x80, s4, s31, $0xb8;
	[tilespmem:$0x1E300] =	vst v63  }
0x52: {  	_ =	swait.ge [sflag:s15], $0x2800  }
0x53: {  	[sflag:s15] =	ssyncset.done $0x0  }
0x54: {  	s10 =	simm.s32 $0x7C00;
	[sflag:s15] =	ssyncadd.s32 $0xFFFFD800  }
0x55: {  	s19 =	simm.s32 $0x2C00;
	v0 =	vld [tilespmem:s10+$0x80]  }
0x56: {  	v1 =	vld [tilespmem:s19+$0x80]  }
0x57: {  	v2 =	vld [tilespmem:s19+$0xFFFFFF00]  }
0x58: {  	v3 =	vld [tilespmem:s10+$0xFFFFFF80]  }
0x59: {  	v4 =	vld [tilespmem:s19+$0xFFFFFF80]  }
0x5a: {  	v5 =	vld [tilespmem:s19+$0x0]  }
0x5b: {  	v0 =	vadd.f32 v1, v0;
	v1 =	vld [tilespmem:s10+$0x0]  }
0x5c: {  	v6 =	vld [tilespmem:s10+$0xFFFFFF00]  }
0x5d: {  	v0 =	vmax.f32 v0, $0.0e+00  }
0x5e: {  	v3 =	vadd.f32 v4, v3;
	[tilespmem:s10+$0x80] =	vst v0;
	v0 =	vld [tilespmem:s10+$0x90]  }
0x5f: {  	v7 =	vld [tilespmem:s19+$0x90]  }
0x60: {  	v8 =	vld [tilespmem:s10+$0xFFFFFF90];
	v3 =	vmax.f32 v3, $0.0e+00;
	v1 =	vadd.f32 v5, v1  }
0x61: {  	v4 =	vld [tilespmem:s10+$0xFFFFFF10];
	v2 =	vadd.f32 v2, v6;
	[tilespmem:s10+$0xFFFFFF80] =	vst v3  }
0x62: {  	v5 =	vld [tilespmem:s19+$0xFFFFFF90];
	v1 =	vmax.f32 v1, $0.0e+00  }
0x63: {  	v2 =	vmax.f32 v2, $0.0e+00;
	v3 =	vld [tilespmem:s10+$0x10];
	[tilespmem:s10+$0x0] =	vst v1  }
0x64: {  	[tilespmem:s10+$0xFFFFFF00] =	vst v2;
	v0 =	vadd.f32 v7, v0;
	v1 =	vld [tilespmem:s19+$0x10]  }
0x65: {  	v2 =	vld [tilespmem:s19+$0xFFFFFF10]  }
0x66: {  	v0 =	vmax.f32 v0, $0.0e+00  }
0x67: {  	v5 =	vadd.f32 v5, v8;
	[tilespmem:s10+$0x90] =	vst v0;
	v0 =	vld [tilespmem:s10+$0xA0]  }
0x68: {  	v7 =	vld [tilespmem:s19+$0xA0]  }
0x69: {  	v6 =	vld [tilespmem:s10+$0xFFFFFF20];
	v5 =	vmax.f32 v5, $0.0e+00;
	v1 =	vadd.f32 v1, v3  }
0x6a: {  	v2 =	vadd.f32 v2, v4;
	v8 =	vld [tilespmem:s10+$0xFFFFFFA0];
	[tilespmem:s10+$0xFFFFFF90] =	vst v5  }
0x6b: {  	v4 =	vld [tilespmem:s19+$0xFFFFFFA0];
	v1 =	vmax.f32 v1, $0.0e+00  }
0x6c: {  	v2 =	vmax.f32 v2, $0.0e+00;
	v3 =	vld [tilespmem:s10+$0x20];
	[tilespmem:s10+$0x10] =	vst v1  }
0x6d: {  	[tilespmem:s10+$0xFFFFFF10] =	vst v2;
	v0 =	vadd.f32 v7, v0;
	v1 =	vld [tilespmem:s19+$0x20]  }
0x6e: {  	v2 =	vld [tilespmem:s19+$0xFFFFFF20]  }
0x6f: {  	v0 =	vmax.f32 v0, $0.0e+00  }
0x70: {  	v4 =	vadd.f32 v4, v8;
	[tilespmem:s10+$0xA0] =	vst v0;
	v0 =	vld [tilespmem:s10+$0xB0]  }
0x71: {  	v7 =	vld [tilespmem:s19+$0xB0]  }
0x72: {  	v9 =	vld [tilespmem:s10+$0x30];
	v4 =	vmax.f32 v4, $0.0e+00;
	v1 =	vadd.f32 v1, v3  }
0x73: {  	v2 =	vadd.f32 v2, v6;
	v8 =	vld [tilespmem:s10+$0xFFFFFFB0];
	[tilespmem:s10+$0xFFFFFFA0] =	vst v4  }
0x74: {  	v3 =	vld [tilespmem:s19+$0xFFFFFFB0];
	v1 =	vmax.f32 v1, $0.0e+00  }
0x75: {  	v5 =	vld [tilespmem:s10+$0xFFFFFF30];
	[tilespmem:s10+$0x20] =	vst v1;
	v1 =	vmax.f32 v2, $0.0e+00  }
0x76: {  	v0 =	vadd.f32 v7, v0;
	[tilespmem:s10+$0xFFFFFF20] =	vst v1;
	v1 =	vld [tilespmem:s19+$0x30]  }
0x77: {  	v6 =	vld [tilespmem:s19+$0xFFFFFF30]  }
0x78: {  	v10 =	vld [tilespmem:s10+$0xFFFFFF40];
	v0 =	vmax.f32 v0, $0.0e+00  }
0x79: {  	v3 =	vadd.f32 v3, v8;
	[tilespmem:s10+$0xB0] =	vst v0;
	v0 =	vld [tilespmem:s10+$0xC0]  }
0x7a: {  	v7 =	vld [tilespmem:s19+$0xC0]  }
0x7b: {  	v11 =	vld [tilespmem:s10+$0xFFFFFFD0];
	v3 =	vmax.f32 v3, $0.0e+00;
	v1 =	vadd.f32 v1, v9  }
0x7c: {  	v4 =	vld [tilespmem:s10+$0xFFFFFFC0];
	[tilespmem:s10+$0xFFFFFFB0] =	vst v3;
	v5 =	vadd.f32 v6, v5  }
0x7d: {  	v6 =	vld [tilespmem:s19+$0xFFFFFFC0];
	v1 =	vmax.f32 v1, $0.0e+00  }
0x7e: {  	v2 =	vld [tilespmem:s10+$0x40];
	[tilespmem:s10+$0x30] =	vst v1;
	v1 =	vmax.f32 v5, $0.0e+00  }
0x7f: {  	v0 =	vadd.f32 v7, v0;
	v5 =	vld [tilespmem:s19+$0x40];
	[tilespmem:s10+$0xFFFFFF30] =	vst v1  }
0x80: {  	v1 =	vld [tilespmem:s19+$0xFFFFFF40]  }
0x81: {  	v8 =	vld [tilespmem:s10+$0xFFFFFF50];
	v0 =	vmax.f32 v0, $0.0e+00  }
0x82: {  	[tilespmem:s10+$0xC0] =	vst v0;
	v0 =	vadd.f32 v6, v4;
	v6 =	vld [tilespmem:s10+$0xD0]  }
0x83: {  	v7 =	vld [tilespmem:s19+$0xD0]  }
0x84: {  	v3 =	vld [tilespmem:s10+$0xFFFFFF60];
	v0 =	vmax.f32 v0, $0.0e+00;
	v2 =	vadd.f32 v5, v2  }
0x85: {  	v9 =	vld [tilespmem:s10+$0x50];
	[tilespmem:s10+$0xFFFFFFC0] =	vst v0;
	v0 =	vadd.f32 v1, v10  }
0x86: {  	v1 =	vld [tilespmem:s19+$0xFFFFFFD0];
	v2 =	vmax.f32 v2, $0.0e+00  }
0x87: {  	v4 =	vld [tilespmem:s10+$0xFFFFFFE0];
	[tilespmem:s10+$0x40] =	vst v2;
	v0 =	vmax.f32 v0, $0.0e+00  }
0x88: {  	v2 =	vld [tilespmem:s19+$0x50];
	v6 =	vadd.f32 v7, v6;
	[tilespmem:s10+$0xFFFFFF40] =	vst v0  }
0x89: {  	v0 =	vld [tilespmem:s19+$0xFFFFFF50]  }
0x8a: {  	v5 =	vld [tilespmem:s10+$0x60];
	v6 =	vmax.f32 v6, $0.0e+00  }
0x8b: {  	v1 =	vadd.f32 v1, v11;
	[tilespmem:s10+$0xD0] =	vst v6;
	v6 =	vld [tilespmem:s10+$0xE0]  }
0x8c: {  	v10 =	vld [tilespmem:s19+$0xE0]  }
0x8d: {  	v1 =	vmax.f32 v1, $0.0e+00;
	v7 =	vadd.f32 v2, v9;
	v2 =	vld [tilespmem:s10+$0xFFFFFF70]  }
0x8e: {  	[tilespmem:s10+$0xFFFFFFD0] =	vst v1;
	v0 =	vadd.f32 v0, v8;
	v1 =	vld [tilespmem:s10+$0xFFFFFFF0]  }
0x8f: {  	v8 =	vmax.f32 v7, $0.0e+00;
	v7 =	vld [tilespmem:s19+$0xFFFFFFE0]  }
0x90: {  	[tilespmem:s10+$0x50] =	vst v8;
	v8 =	vmax.f32 v0, $0.0e+00;
	v0 =	vld [tilespmem:s10+$0x70]  }
0x91: {  	[tilespmem:s10+$0xFFFFFF50] =	vst v8;
	v8 =	vld [tilespmem:s19+$0x60];
	v6 =	vadd.f32 v10, v6  }
0x92: {  	s20 =	sshll.u32 s24, $0x1;
	v9 =	vld [tilespmem:s19+$0xFFFFFF60]  }
0x93: {  	s18 =	simm.s32 $0x0;
	s16 =	simm.s32 $0x7E00;
	s23 =	simm.s32 $0x2C00;
	v10 =	vmax.f32 v6, $0.0e+00;
	v6 =	vld [tilespmem:s10+$0xF0]  }
.LBB2_4:
0x94: {  	v11 =	vld [tilespmem:s16+$0x80];
	v4 =	vadd.f32 v7, v4;
	[tilespmem:s10+$0xE0] =	vst v10  }
0x95: {  	s23 =	sadd.s32 $0x200, s23;
	v7 =	vld [tilespmem:s19+$0xF0]  }
0x96: {  	s18 =	sadd.s32 $0x4, s18;
	v10 =	vld [tilespmem:s23+$0x80];
	v4 =	vmax.f32 v4, $0.0e+00;
	v5 =	vadd.f32 v8, v5  }
0x97: {  	p0 =	slt.u32 s18, $0x4C;
	v8 =	vld [tilespmem:s23+$0xFFFFFF00];
	v3 =	vadd.f32 v9, v3;
	[tilespmem:s10+$0xFFFFFFE0] =	vst v4  }
0x98: {  	v4 =	vld [tilespmem:s16+$0xFFFFFF80];
	v5 =	vmax.f32 v5, $0.0e+00  }
0x99: {  	v9 =	vld [tilespmem:s23+$0xFFFFFF80];
	v3 =	vmax.f32 v3, $0.0e+00;
	[tilespmem:s10+$0x60] =	vst v5  }
0x9a: {  	v5 =	vld [tilespmem:s16+$0x0];
	[tilespmem:s10+$0xFFFFFF60] =	vst v3;
	v3 =	vadd.f32 v7, v6  }
0x9b: {  	v6 =	vld [tilespmem:s23+$0x0];
	v7 =	vadd.f32 v10, v11  }
0x9c: {  	v10 =	vld [tilespmem:s16+$0xFFFFFF00];
	v3 =	vmax.f32 v3, $0.0e+00  }
0x9d: {  	v11 =	vld [tilespmem:s16+$0xFFFFFF10];
	v7 =	vmax.f32 v7, $0.0e+00;
	[tilespmem:s10+$0xF0] =	vst v3  }
0x9e: {  	v3 =	vadd.f32 v9, v4;
	[tilespmem:s16+$0x80] =	vst v7;
	v4 =	vld [tilespmem:s16+$0x90]  }
0x9f: {  	v7 =	vld [tilespmem:s23+$0x90]  }
0xa0: {  	v3 =	vmax.f32 v3, $0.0e+00;
	v9 =	vld [tilespmem:s16+$0xFFFFFF90];
	v5 =	vadd.f32 v6, v5  }
0xa1: {  	v6 =	vadd.f32 v8, v10;
	[tilespmem:s16+$0xFFFFFF80] =	vst v3;
	v3 =	vld [tilespmem:s16+$0x10]  }
0xa2: {  	v8 =	vld [tilespmem:s23+$0xFFFFFF90];
	v5 =	vmax.f32 v5, $0.0e+00  }
0xa3: {  	v6 =	vmax.f32 v6, $0.0e+00;
	v10 =	vld [tilespmem:s16+$0xFFFFFF20];
	[tilespmem:s16+$0x0] =	vst v5  }
0xa4: {  	[tilespmem:s16+$0xFFFFFF00] =	vst v6;
	v5 =	vld [tilespmem:s23+$0x10];
	v4 =	vadd.f32 v7, v4  }
0xa5: {  	v6 =	vld [tilespmem:s23+$0xFFFFFF10]  }
0xa6: {  	v7 =	vld [tilespmem:s16+$0xFFFFFFA0];
	v4 =	vmax.f32 v4, $0.0e+00  }
0xa7: {  	v8 =	vadd.f32 v8, v9;
	[tilespmem:s16+$0x90] =	vst v4;
	v4 =	vld [tilespmem:s16+$0xA0]  }
0xa8: {  	v9 =	vld [tilespmem:s23+$0xA0]  }
0xa9: {  	v8 =	vmax.f32 v8, $0.0e+00;
	v3 =	vadd.f32 v5, v3;
	v5 =	vld [tilespmem:s16+$0x20]  }
0xaa: {  	v6 =	vadd.f32 v6, v11;
	v11 =	vld [tilespmem:s16+$0xFFFFFF30];
	[tilespmem:s16+$0xFFFFFF90] =	vst v8  }
0xab: {  	v8 =	vld [tilespmem:s23+$0xFFFFFFA0];
	v3 =	vmax.f32 v3, $0.0e+00  }
0xac: {  	v6 =	vmax.f32 v6, $0.0e+00;
	v12 =	vld [tilespmem:s16+$0xFFFFFFB0];
	[tilespmem:s16+$0x10] =	vst v3  }
0xad: {  	[tilespmem:s16+$0xFFFFFF10] =	vst v6;
	v3 =	vld [tilespmem:s23+$0x20];
	v4 =	vadd.f32 v9, v4  }
0xae: {  	v6 =	vld [tilespmem:s23+$0xFFFFFF20]  }
0xaf: {  	v9 =	vld [tilespmem:s16+$0x30];
	v4 =	vmax.f32 v4, $0.0e+00  }
0xb0: {  	v7 =	vadd.f32 v8, v7;
	[tilespmem:s16+$0xA0] =	vst v4;
	v4 =	vld [tilespmem:s16+$0xB0]  }
0xb1: {  	v8 =	vld [tilespmem:s23+$0xB0]  }
0xb2: {  	v13 =	vld [tilespmem:s16+$0xFFFFFF40];
	v7 =	vmax.f32 v7, $0.0e+00;
	v3 =	vadd.f32 v3, v5  }
0xb3: {  	v5 =	vadd.f32 v6, v10;
	[tilespmem:s16+$0xFFFFFFA0] =	vst v7;
	v6 =	vld [tilespmem:s16+$0xFFFFFFC0]  }
0xb4: {  	v7 =	vld [tilespmem:s23+$0xFFFFFFB0];
	v3 =	vmax.f32 v3, $0.0e+00  }
0xb5: {  	v5 =	vmax.f32 v5, $0.0e+00;
	[tilespmem:s16+$0x20] =	vst v3;
	v10 =	vld [tilespmem:s16+$0x40]  }
0xb6: {  	[tilespmem:s16+$0xFFFFFF20] =	vst v5;
	v3 =	vld [tilespmem:s23+$0x30];
	v4 =	vadd.f32 v8, v4  }
0xb7: {  	v5 =	vld [tilespmem:s23+$0xFFFFFF30]  }
0xb8: {  	v8 =	vld [tilespmem:s16+$0xFFFFFF50];
	v4 =	vmax.f32 v4, $0.0e+00  }
0xb9: {  	v7 =	vadd.f32 v7, v12;
	[tilespmem:s16+$0xB0] =	vst v4;
	v4 =	vld [tilespmem:s16+$0xC0]  }
0xba: {  	v12 =	vld [tilespmem:s23+$0xC0]  }
0xbb: {  	v7 =	vmax.f32 v7, $0.0e+00;
	v14 =	vld [tilespmem:s16+$0xFFFFFFD0];
	v3 =	vadd.f32 v3, v9  }
0xbc: {  	v5 =	vadd.f32 v5, v11;
	[tilespmem:s16+$0xFFFFFFB0] =	vst v7;
	v7 =	vld [tilespmem:s16+$0x50]  }
0xbd: {  	v9 =	vld [tilespmem:s23+$0xFFFFFFC0];
	v11 =	vmax.f32 v3, $0.0e+00  }
0xbe: {  	v5 =	vmax.f32 v5, $0.0e+00;
	v3 =	vld [tilespmem:s16+$0xFFFFFF60];
	[tilespmem:s16+$0x30] =	vst v11  }
0xbf: {  	[tilespmem:s16+$0xFFFFFF30] =	vst v5;
	v5 =	vld [tilespmem:s23+$0x40];
	v11 =	vadd.f32 v12, v4  }
0xc0: {  	v12 =	vld [tilespmem:s23+$0xFFFFFF40]  }
0xc1: {  	v4 =	vld [tilespmem:s16+$0xFFFFFFE0];
	v11 =	vmax.f32 v11, $0.0e+00  }
0xc2: {  	v6 =	vadd.f32 v9, v6;
	[tilespmem:s16+$0xC0] =	vst v11;
	v9 =	vld [tilespmem:s16+$0xD0]  }
0xc3: {  	v11 =	vld [tilespmem:s23+$0xD0]  }
0xc4: {  	v6 =	vmax.f32 v6, $0.0e+00;
	v10 =	vadd.f32 v5, v10;
	v5 =	vld [tilespmem:s16+$0x60]  }
0xc5: {  	v12 =	vadd.f32 v12, v13;
	[tilespmem:s16+$0xFFFFFFC0] =	vst v6;
	v6 =	vld [tilespmem:s19+$0xFFFFFF70]  }
0xc6: {  	v13 =	vld [tilespmem:s23+$0xFFFFFFD0];
	v10 =	vmax.f32 v10, $0.0e+00  }
0xc7: {  	v12 =	vmax.f32 v12, $0.0e+00;
	[tilespmem:s16+$0x40] =	vst v10;
	v10 =	vld [tilespmem:s19+$0xFFFFFFF0]  }
0xc8: {  	[tilespmem:s16+$0xFFFFFF40] =	vst v12;
	v12 =	vld [tilespmem:s23+$0x50];
	v9 =	vadd.f32 v11, v9  }
0xc9: {  	v11 =	vld [tilespmem:s23+$0xFFFFFF50]  }
0xca: {  	v9 =	vmax.f32 v9, $0.0e+00;
	v2 =	vadd.f32 v6, v2;
	v6 =	vld [tilespmem:s19+$0x70];
	s19 =	smov.u32 s23  }
0xcb: {  	v13 =	vadd.f32 v13, v14;
	[tilespmem:s16+$0xD0] =	vst v9;
	v9 =	vld [tilespmem:s16+$0xE0]  }
0xcc: {  	v14 =	vld [tilespmem:s23+$0xE0];
	v15 =	vmax.f32 v2, $0.0e+00;
	v10 =	vadd.f32 v10, v1  }
0xcd: {  	v2 =	vld [tilespmem:s16+$0xFFFFFF70];
	v1 =	vmax.f32 v13, $0.0e+00;
	v12 =	vadd.f32 v12, v7;
	[tilespmem:s10+$0xFFFFFF70] =	vst v15  }
0xce: {  	v8 =	vadd.f32 v11, v8;
	[tilespmem:s16+$0xFFFFFFD0] =	vst v1;
	v1 =	vld [tilespmem:s16+$0xFFFFFFF0];
	v10 =	vmax.f32 v10, $0.0e+00  }
.Ltmp3:
0xcf: {  	v7 =	vld [tilespmem:s23+$0xFFFFFFE0];
	v11 =	vmax.f32 v12, $0.0e+00;
	[tilespmem:s10+$0xFFFFFFF0] =	vst v10;
	v6 =	vadd.f32 v6, v0;
	(pc) =	sbr.rel @p0 .LBB2_4-.Ltmp3, $4  }
0xd0: {  	v8 =	vmax.f32 v8, $0.0e+00;
	[tilespmem:s16+$0x50] =	vst v11;
	v0 =	vld [tilespmem:s16+$0x70]  }
0xd1: {  	[tilespmem:s16+$0xFFFFFF50] =	vst v8;
	v8 =	vld [tilespmem:s23+$0x60];
	v10 =	vadd.f32 v14, v9;
	v6 =	vmax.f32 v6, $0.0e+00  }
0xd2: {  	v9 =	vld [tilespmem:s23+$0xFFFFFF60];
	[tilespmem:s10+$0x70] =	vst v6;
	s10 =	smov.u32 s16  }
0xd3: {  	s16 =	sadd.s32 $0x200, s16;
	v10 =	vmax.f32 v10, $0.0e+00;
	v6 =	vld [tilespmem:s10+$0xF0]  }
0xd4: {  	_ = 	snop  }
0xd5: {  	v4 =	vadd.f32 v7, v4  }
0xd6: {  	v5 =	vadd.f32 v8, v5  }
0xd7: {  	[tilespmem:s10+$0xE0] =	vst v10;
	v4 =	vmax.f32 v4, $0.0e+00;
	v3 =	vadd.f32 v9, v3  }
0xd8: {  	v57 =	vld [tilespmem:s19+$0xF0];
	[tilespmem:s10+$0xFFFFFFE0] =	vst v4;
	v58 =	vmax.f32 v5, $0.0e+00  }
0xd9: {  	v60 =	vld [tilespmem:s19+$0xFFFFFFF0];
	v3 =	vmax.f32 v3, $0.0e+00;
	[tilespmem:s10+$0x60] =	vst v58  }
0xda: {  	[tilespmem:s10+$0xFFFFFF60] =	vst v3;
	v61 =	vld [tilespmem:s19+$0x70]  }
0xdb: {  	v59 =	vld [tilespmem:s19+$0xFFFFFF70];
	_ =	sdelay $0x1  }
0xdc: {  	v6 =	vadd.f32 v57, v6  }
0xdd: {  	v1 =	vadd.f32 v60, v1  }
0xde: {  	v62 =	vmax.f32 v6, $0.0e+00;
	v0 =	vadd.f32 v61, v0  }
0xdf: {  	[tilespmem:s10+$0xF0] =	vst v62;
	v1 =	vmax.f32 v1, $0.0e+00;
	v2 =	vadd.f32 v59, v2  }
0xe0: {  	[tilespmem:s10+$0xFFFFFFF0] =	vst v1;
	v0 =	vmax.f32 v0, $0.0e+00  }
0xe1: {  	v2 =	vmax.f32 v2, $0.0e+00;
	[tilespmem:s10+$0x70] =	vst v0  }
0xe2: {  	[tilespmem:s10+$0xFFFFFF70] =	vst v2  }
0xe3: {  	v0 =	vld [tilespmem:$0x180]  }
0xe4: {  	v1 =	vld [tilespmem:$0x190]  }
0xe5: {  	v2 =	vld [tilespmem:$0x1A0]  }
0xe6: {  	v63 =	vld [tilespmem:$0x1B0]  }
0xe7: {  	v4 =	vld [tilespmem:$0x1C0]  }
0xe8: {  	s10 =	sor.u32 $0x1, s20;
	[tilespmem:$0x280] =	vst v0  }
0xe9: {  	p0 =	sgt.u32 s10, $0x7C;
	[tilespmem:$0x290] =	vst v1  }
0xea: {  	s10 =	smul.u32 @!p0 $0x50, s10;
	[tilespmem:$0x2A0] =	vst v2  }
0xeb: {  	[tilespmem:$0x2B0] =	vst v63  }
0xec: {  	s16 =	simm.s32 $0x280;
	s10 =	sadd.s32 @!p0 s8, s10;
	[tilespmem:$0x2C0] =	vst v4  }
0xed: {  	[spmem:s3] =	stream.indirect.scatter.add.f32 [tilespmem:s9], [sflag:$0xA], $0x80, s16, s31, $0xb8;
	[tilespmem:$0x1E300] =	vst v63  }
0xee: {  	s16 =	sshrl.u32 @!p0 s10, $0x3  }
0xef: {  	s19 =	simm.s32 @!p0 $0x0;
	s20 =	simm.s32 @!p0 $0x80;
	s18 =	sadd.s32 @!p0 s1, s16  }
0xf0: {  	[tilespmem:s20], [sflag:$0x2] =	stream.linear.gather @!p0 [hbm4b:s18+s19], $0x50, $0x38;
	[tilespmem:$0x1E300] =	vst v63  }
0xf1: {  	s10 =	sshll.u32 @!p0 s10, $0x4;
	s16 =	sadd.s32 @!p0 s6, s16;
	s18 =	simm.s32 @!p0 $0x180  }
0xf2: {  	[tilespmem:s18], [sflag:$0x4] =	stream.linear.gather @!p0 [hbm4b:s16+s19], $0x50, $0x38;
	[tilespmem:$0x1E300] =	vst v63  }
0xf3: {  	s10 =	sadd.s32 @!p0 s7, s10;
	s16 =	simm.s32 @!p0 $0x2B00  }
0xf4: {  	[tilespmem:s16], [sflag:$0x6] =	stream.linear.gather @!p0 [hbm4b:s10+s19], $0x2800, $0x38;
	[tilespmem:$0x1E300] =	vst v63  }
0xf5: {  	p0 =	sgt.u32 s24, $0x3D  }
.Ltmp4:
0xf6: {  	_ = 	snop;
	(pc) =	sbr.rel @p0 .LBB2_9-.Ltmp4, $1  }
0xf7: {  	_ =	sdelay $0x3  }
.Ltmp5:
0xf8: {  	(pc) =	sbr.rel .LBB2_8-.Ltmp5, $4  }
0xf9: {  	_ = 	snop  }
0xfa: {  	_ =	swait.ge [sflag:s14], $0x2800  }
0xfb: {  	[sflag:s14] =	ssyncset.done $0x0  }
0xfc: {  	[sflag:s14] =	ssyncadd.s32 $0xFFFFD800  }
.LBB2_7:
0xfd: {  	_ =	swait.ge [sflag:s28], $0x50  }
0xfe: {  	[sflag:s28] =	ssyncset.done $0x0  }
0xff: {  	[sflag:s28] =	ssyncadd.s32 $0xFFFFFFB0  }
0x100: {  	_ =	swait.ge [sflag:s29], $0x50  }
0x101: {  	[sflag:s29] =	ssyncset.done $0x0  }
0x102: {  	[sflag:s29] =	ssyncadd.s32 $0xFFFFFFB0  }
0x103: {  	_ =	swait.ge [sflag:s30], $0x2800  }
0x104: {  	[sflag:s30] =	ssyncset.done $0x0  }
0x105: {  	[sflag:s30] =	ssyncadd.s32 $0xFFFFD800  }
0x106: {  	[tilespmem:s0], [sflag:$0x7] =	stream.indirect.gather [hbm4b:s5+s31], $0x80, s4, s31, $0xb8;
	[tilespmem:$0x1E300] =	vst v63  }
.LBB2_8:
0x107: {  	_ =	swait.ge [sflag:s2], $0x50  }
0x108: {  	[sflag:s2] =	ssyncset.done $0x0  }
0x109: {  	[sflag:s2] =	ssyncadd.s32 $0xFFFFFFB0  }
0x10a: {  	_ =	swait.ge [sflag:s25], $0x50  }
0x10b: {  	[sflag:s25] =	ssyncset.done $0x0  }
0x10c: {  	[sflag:s25] =	ssyncadd.s32 $0xFFFFFFB0  }
0x10d: {  	_ =	swait.ge [sflag:s26], $0x2800  }
0x10e: {  	[sflag:s26] =	ssyncset.done $0x0  }
0x10f: {  	s10 =	simm.s32 $0x80;
	[sflag:s26] =	ssyncadd.s32 $0xFFFFD800  }
0x110: {  	[tilespmem:s9], [sflag:$0x8] =	stream.indirect.gather [hbm4b:s5+s31], $0x80, s10, s31, $0xb8;
	[tilespmem:$0x1E300] =	vst v63  }
.LBB2_9:
0x111: {  	_ =	swait.ge [sflag:s11], $0x2800  }
0x112: {  	[sflag:s11] =	ssyncset.done $0x0  }
0x113: {  	s10 =	simm.s32 $0x5400;
	[sflag:s11] =	ssyncadd.s32 $0xFFFFD800  }
0x114: {  	s19 =	simm.s32 $0x400;
	v0 =	vld [tilespmem:s10+$0x80]  }
0x115: {  	v1 =	vld [tilespmem:s19+$0x80]  }
0x116: {  	v2 =	vld [tilespmem:s19+$0xFFFFFF00]  }
0x117: {  	v3 =	vld [tilespmem:s10+$0xFFFFFF80]  }
0x118: {  	v4 =	vld [tilespmem:s19+$0xFFFFFF80]  }
0x119: {  	v5 =	vld [tilespmem:s19+$0x0]  }
0x11a: {  	v0 =	vadd.f32 v1, v0;
	v1 =	vld [tilespmem:s10+$0x0]  }
0x11b: {  	v6 =	vld [tilespmem:s10+$0xFFFFFF00]  }
0x11c: {  	v0 =	vmax.f32 v0, $0.0e+00  }
0x11d: {  	v3 =	vadd.f32 v4, v3;
	[tilespmem:s10+$0x80] =	vst v0;
	v0 =	vld [tilespmem:s10+$0x90]  }
0x11e: {  	v7 =	vld [tilespmem:s19+$0x90]  }
0x11f: {  	v8 =	vld [tilespmem:s10+$0xFFFFFF90];
	v3 =	vmax.f32 v3, $0.0e+00;
	v1 =	vadd.f32 v5, v1  }
0x120: {  	v4 =	vld [tilespmem:s10+$0xFFFFFF10];
	v2 =	vadd.f32 v2, v6;
	[tilespmem:s10+$0xFFFFFF80] =	vst v3  }
0x121: {  	v5 =	vld [tilespmem:s19+$0xFFFFFF90];
	v1 =	vmax.f32 v1, $0.0e+00  }
0x122: {  	v2 =	vmax.f32 v2, $0.0e+00;
	v3 =	vld [tilespmem:s10+$0x10];
	[tilespmem:s10+$0x0] =	vst v1  }
0x123: {  	[tilespmem:s10+$0xFFFFFF00] =	vst v2;
	v0 =	vadd.f32 v7, v0;
	v1 =	vld [tilespmem:s19+$0x10]  }
0x124: {  	v2 =	vld [tilespmem:s19+$0xFFFFFF10]  }
0x125: {  	v0 =	vmax.f32 v0, $0.0e+00  }
0x126: {  	v5 =	vadd.f32 v5, v8;
	[tilespmem:s10+$0x90] =	vst v0;
	v0 =	vld [tilespmem:s10+$0xA0]  }
0x127: {  	v7 =	vld [tilespmem:s19+$0xA0]  }
0x128: {  	v6 =	vld [tilespmem:s10+$0xFFFFFF20];
	v5 =	vmax.f32 v5, $0.0e+00;
	v1 =	vadd.f32 v1, v3  }
0x129: {  	v2 =	vadd.f32 v2, v4;
	v8 =	vld [tilespmem:s10+$0xFFFFFFA0];
	[tilespmem:s10+$0xFFFFFF90] =	vst v5  }
0x12a: {  	v4 =	vld [tilespmem:s19+$0xFFFFFFA0];
	v1 =	vmax.f32 v1, $0.0e+00  }
0x12b: {  	v2 =	vmax.f32 v2, $0.0e+00;
	v3 =	vld [tilespmem:s10+$0x20];
	[tilespmem:s10+$0x10] =	vst v1  }
0x12c: {  	[tilespmem:s10+$0xFFFFFF10] =	vst v2;
	v0 =	vadd.f32 v7, v0;
	v1 =	vld [tilespmem:s19+$0x20]  }
0x12d: {  	v2 =	vld [tilespmem:s19+$0xFFFFFF20]  }
0x12e: {  	v0 =	vmax.f32 v0, $0.0e+00  }
0x12f: {  	v4 =	vadd.f32 v4, v8;
	[tilespmem:s10+$0xA0] =	vst v0;
	v0 =	vld [tilespmem:s10+$0xB0]  }
0x130: {  	v7 =	vld [tilespmem:s19+$0xB0]  }
0x131: {  	v9 =	vld [tilespmem:s10+$0x30];
	v4 =	vmax.f32 v4, $0.0e+00;
	v1 =	vadd.f32 v1, v3  }
0x132: {  	v2 =	vadd.f32 v2, v6;
	v8 =	vld [tilespmem:s10+$0xFFFFFFB0];
	[tilespmem:s10+$0xFFFFFFA0] =	vst v4  }
0x133: {  	v3 =	vld [tilespmem:s19+$0xFFFFFFB0];
	v1 =	vmax.f32 v1, $0.0e+00  }
0x134: {  	v5 =	vld [tilespmem:s10+$0xFFFFFF30];
	[tilespmem:s10+$0x20] =	vst v1;
	v1 =	vmax.f32 v2, $0.0e+00  }
0x135: {  	v0 =	vadd.f32 v7, v0;
	[tilespmem:s10+$0xFFFFFF20] =	vst v1;
	v1 =	vld [tilespmem:s19+$0x30]  }
0x136: {  	v6 =	vld [tilespmem:s19+$0xFFFFFF30]  }
0x137: {  	v10 =	vld [tilespmem:s10+$0xFFFFFF40];
	v0 =	vmax.f32 v0, $0.0e+00  }
0x138: {  	v3 =	vadd.f32 v3, v8;
	[tilespmem:s10+$0xB0] =	vst v0;
	v0 =	vld [tilespmem:s10+$0xC0]  }
0x139: {  	v7 =	vld [tilespmem:s19+$0xC0]  }
0x13a: {  	v11 =	vld [tilespmem:s10+$0xFFFFFFD0];
	v3 =	vmax.f32 v3, $0.0e+00;
	v1 =	vadd.f32 v1, v9  }
0x13b: {  	v4 =	vld [tilespmem:s10+$0xFFFFFFC0];
	[tilespmem:s10+$0xFFFFFFB0] =	vst v3;
	v5 =	vadd.f32 v6, v5  }
0x13c: {  	v6 =	vld [tilespmem:s19+$0xFFFFFFC0];
	v1 =	vmax.f32 v1, $0.0e+00  }
0x13d: {  	v2 =	vld [tilespmem:s10+$0x40];
	[tilespmem:s10+$0x30] =	vst v1;
	v1 =	vmax.f32 v5, $0.0e+00  }
0x13e: {  	v0 =	vadd.f32 v7, v0;
	v5 =	vld [tilespmem:s19+$0x40];
	[tilespmem:s10+$0xFFFFFF30] =	vst v1  }
0x13f: {  	v1 =	vld [tilespmem:s19+$0xFFFFFF40]  }
0x140: {  	v8 =	vld [tilespmem:s10+$0xFFFFFF50];
	v0 =	vmax.f32 v0, $0.0e+00  }
0x141: {  	[tilespmem:s10+$0xC0] =	vst v0;
	v0 =	vadd.f32 v6, v4;
	v6 =	vld [tilespmem:s10+$0xD0]  }
0x142: {  	v7 =	vld [tilespmem:s19+$0xD0]  }
0x143: {  	v3 =	vld [tilespmem:s10+$0xFFFFFF60];
	v0 =	vmax.f32 v0, $0.0e+00;
	v2 =	vadd.f32 v5, v2  }
0x144: {  	v9 =	vld [tilespmem:s10+$0x50];
	[tilespmem:s10+$0xFFFFFFC0] =	vst v0;
	v0 =	vadd.f32 v1, v10  }
0x145: {  	v1 =	vld [tilespmem:s19+$0xFFFFFFD0];
	v2 =	vmax.f32 v2, $0.0e+00  }
0x146: {  	v4 =	vld [tilespmem:s10+$0xFFFFFFE0];
	[tilespmem:s10+$0x40] =	vst v2;
	v0 =	vmax.f32 v0, $0.0e+00  }
0x147: {  	v2 =	vld [tilespmem:s19+$0x50];
	v6 =	vadd.f32 v7, v6;
	[tilespmem:s10+$0xFFFFFF40] =	vst v0  }
0x148: {  	v0 =	vld [tilespmem:s19+$0xFFFFFF50]  }
0x149: {  	v5 =	vld [tilespmem:s10+$0x60];
	v6 =	vmax.f32 v6, $0.0e+00  }
0x14a: {  	v1 =	vadd.f32 v1, v11;
	[tilespmem:s10+$0xD0] =	vst v6;
	v6 =	vld [tilespmem:s10+$0xE0]  }
0x14b: {  	v10 =	vld [tilespmem:s19+$0xE0]  }
0x14c: {  	v1 =	vmax.f32 v1, $0.0e+00;
	v7 =	vadd.f32 v2, v9;
	v2 =	vld [tilespmem:s10+$0xFFFFFF70]  }
0x14d: {  	[tilespmem:s10+$0xFFFFFFD0] =	vst v1;
	v0 =	vadd.f32 v0, v8;
	v1 =	vld [tilespmem:s10+$0xFFFFFFF0]  }
0x14e: {  	v8 =	vmax.f32 v7, $0.0e+00;
	v7 =	vld [tilespmem:s19+$0xFFFFFFE0]  }
0x14f: {  	[tilespmem:s10+$0x50] =	vst v8;
	v8 =	vmax.f32 v0, $0.0e+00;
	v0 =	vld [tilespmem:s10+$0x70]  }
0x150: {  	[tilespmem:s10+$0xFFFFFF50] =	vst v8;
	v8 =	vld [tilespmem:s19+$0x60];
	v6 =	vadd.f32 v10, v6  }
0x151: {  	v9 =	vld [tilespmem:s19+$0xFFFFFF60]  }
0x152: {  	s18 =	simm.s32 $0x0;
	s16 =	simm.s32 $0x5600;
	s20 =	simm.s32 $0x400;
	v10 =	vmax.f32 v6, $0.0e+00;
	v6 =	vld [tilespmem:s10+$0xF0]  }
.LBB2_10:
0x153: {  	v11 =	vld [tilespmem:s16+$0x80];
	v4 =	vadd.f32 v7, v4;
	[tilespmem:s10+$0xE0] =	vst v10  }
0x154: {  	s20 =	sadd.s32 $0x200, s20;
	v7 =	vld [tilespmem:s19+$0xF0]  }
0x155: {  	s18 =	sadd.s32 $0x4, s18;
	v10 =	vld [tilespmem:s20+$0x80];
	v4 =	vmax.f32 v4, $0.0e+00;
	v5 =	vadd.f32 v8, v5  }
0x156: {  	p0 =	slt.u32 s18, $0x4C;
	v8 =	vld [tilespmem:s20+$0xFFFFFF00];
	v3 =	vadd.f32 v9, v3;
	[tilespmem:s10+$0xFFFFFFE0] =	vst v4  }
0x157: {  	v4 =	vld [tilespmem:s16+$0xFFFFFF80];
	v5 =	vmax.f32 v5, $0.0e+00  }
0x158: {  	v9 =	vld [tilespmem:s20+$0xFFFFFF80];
	v3 =	vmax.f32 v3, $0.0e+00;
	[tilespmem:s10+$0x60] =	vst v5  }
0x159: {  	v5 =	vld [tilespmem:s16+$0x0];
	[tilespmem:s10+$0xFFFFFF60] =	vst v3;
	v3 =	vadd.f32 v7, v6  }
0x15a: {  	v6 =	vld [tilespmem:s20+$0x0];
	v7 =	vadd.f32 v10, v11  }
0x15b: {  	v10 =	vld [tilespmem:s16+$0xFFFFFF00];
	v3 =	vmax.f32 v3, $0.0e+00  }
0x15c: {  	v11 =	vld [tilespmem:s16+$0xFFFFFF10];
	v7 =	vmax.f32 v7, $0.0e+00;
	[tilespmem:s10+$0xF0] =	vst v3  }
0x15d: {  	v3 =	vadd.f32 v9, v4;
	[tilespmem:s16+$0x80] =	vst v7;
	v4 =	vld [tilespmem:s16+$0x90]  }
0x15e: {  	v7 =	vld [tilespmem:s20+$0x90]  }
0x15f: {  	v3 =	vmax.f32 v3, $0.0e+00;
	v9 =	vld [tilespmem:s16+$0xFFFFFF90];
	v5 =	vadd.f32 v6, v5  }
0x160: {  	v6 =	vadd.f32 v8, v10;
	[tilespmem:s16+$0xFFFFFF80] =	vst v3;
	v3 =	vld [tilespmem:s16+$0x10]  }
0x161: {  	v8 =	vld [tilespmem:s20+$0xFFFFFF90];
	v5 =	vmax.f32 v5, $0.0e+00  }
0x162: {  	v6 =	vmax.f32 v6, $0.0e+00;
	v10 =	vld [tilespmem:s16+$0xFFFFFF20];
	[tilespmem:s16+$0x0] =	vst v5  }
0x163: {  	[tilespmem:s16+$0xFFFFFF00] =	vst v6;
	v5 =	vld [tilespmem:s20+$0x10];
	v4 =	vadd.f32 v7, v4  }
0x164: {  	v6 =	vld [tilespmem:s20+$0xFFFFFF10]  }
0x165: {  	v7 =	vld [tilespmem:s16+$0xFFFFFFA0];
	v4 =	vmax.f32 v4, $0.0e+00  }
0x166: {  	v8 =	vadd.f32 v8, v9;
	[tilespmem:s16+$0x90] =	vst v4;
	v4 =	vld [tilespmem:s16+$0xA0]  }
0x167: {  	v9 =	vld [tilespmem:s20+$0xA0]  }
0x168: {  	v8 =	vmax.f32 v8, $0.0e+00;
	v3 =	vadd.f32 v5, v3;
	v5 =	vld [tilespmem:s16+$0x20]  }
0x169: {  	v6 =	vadd.f32 v6, v11;
	v11 =	vld [tilespmem:s16+$0xFFFFFF30];
	[tilespmem:s16+$0xFFFFFF90] =	vst v8  }
0x16a: {  	v8 =	vld [tilespmem:s20+$0xFFFFFFA0];
	v3 =	vmax.f32 v3, $0.0e+00  }
0x16b: {  	v6 =	vmax.f32 v6, $0.0e+00;
	v12 =	vld [tilespmem:s16+$0xFFFFFFB0];
	[tilespmem:s16+$0x10] =	vst v3  }
0x16c: {  	[tilespmem:s16+$0xFFFFFF10] =	vst v6;
	v3 =	vld [tilespmem:s20+$0x20];
	v4 =	vadd.f32 v9, v4  }
0x16d: {  	v6 =	vld [tilespmem:s20+$0xFFFFFF20]  }
0x16e: {  	v9 =	vld [tilespmem:s16+$0x30];
	v4 =	vmax.f32 v4, $0.0e+00  }
0x16f: {  	v7 =	vadd.f32 v8, v7;
	[tilespmem:s16+$0xA0] =	vst v4;
	v4 =	vld [tilespmem:s16+$0xB0]  }
0x170: {  	v8 =	vld [tilespmem:s20+$0xB0]  }
0x171: {  	v13 =	vld [tilespmem:s16+$0xFFFFFF40];
	v7 =	vmax.f32 v7, $0.0e+00;
	v3 =	vadd.f32 v3, v5  }
0x172: {  	v5 =	vadd.f32 v6, v10;
	[tilespmem:s16+$0xFFFFFFA0] =	vst v7;
	v6 =	vld [tilespmem:s16+$0xFFFFFFC0]  }
0x173: {  	v7 =	vld [tilespmem:s20+$0xFFFFFFB0];
	v3 =	vmax.f32 v3, $0.0e+00  }
0x174: {  	v5 =	vmax.f32 v5, $0.0e+00;
	[tilespmem:s16+$0x20] =	vst v3;
	v10 =	vld [tilespmem:s16+$0x40]  }
0x175: {  	[tilespmem:s16+$0xFFFFFF20] =	vst v5;
	v3 =	vld [tilespmem:s20+$0x30];
	v4 =	vadd.f32 v8, v4  }
0x176: {  	v5 =	vld [tilespmem:s20+$0xFFFFFF30]  }
0x177: {  	v8 =	vld [tilespmem:s16+$0xFFFFFF50];
	v4 =	vmax.f32 v4, $0.0e+00  }
0x178: {  	v7 =	vadd.f32 v7, v12;
	[tilespmem:s16+$0xB0] =	vst v4;
	v4 =	vld [tilespmem:s16+$0xC0]  }
0x179: {  	v12 =	vld [tilespmem:s20+$0xC0]  }
0x17a: {  	v7 =	vmax.f32 v7, $0.0e+00;
	v14 =	vld [tilespmem:s16+$0xFFFFFFD0];
	v3 =	vadd.f32 v3, v9  }
0x17b: {  	v5 =	vadd.f32 v5, v11;
	[tilespmem:s16+$0xFFFFFFB0] =	vst v7;
	v7 =	vld [tilespmem:s16+$0x50]  }
0x17c: {  	v9 =	vld [tilespmem:s20+$0xFFFFFFC0];
	v11 =	vmax.f32 v3, $0.0e+00  }
0x17d: {  	v5 =	vmax.f32 v5, $0.0e+00;
	v3 =	vld [tilespmem:s16+$0xFFFFFF60];
	[tilespmem:s16+$0x30] =	vst v11  }
0x17e: {  	[tilespmem:s16+$0xFFFFFF30] =	vst v5;
	v5 =	vld [tilespmem:s20+$0x40];
	v11 =	vadd.f32 v12, v4  }
0x17f: {  	v12 =	vld [tilespmem:s20+$0xFFFFFF40]  }
0x180: {  	v4 =	vld [tilespmem:s16+$0xFFFFFFE0];
	v11 =	vmax.f32 v11, $0.0e+00  }
0x181: {  	v6 =	vadd.f32 v9, v6;
	[tilespmem:s16+$0xC0] =	vst v11;
	v9 =	vld [tilespmem:s16+$0xD0]  }
0x182: {  	v11 =	vld [tilespmem:s20+$0xD0]  }
0x183: {  	v6 =	vmax.f32 v6, $0.0e+00;
	v10 =	vadd.f32 v5, v10;
	v5 =	vld [tilespmem:s16+$0x60]  }
0x184: {  	v12 =	vadd.f32 v12, v13;
	[tilespmem:s16+$0xFFFFFFC0] =	vst v6;
	v6 =	vld [tilespmem:s19+$0xFFFFFF70]  }
0x185: {  	v13 =	vld [tilespmem:s20+$0xFFFFFFD0];
	v10 =	vmax.f32 v10, $0.0e+00  }
0x186: {  	v12 =	vmax.f32 v12, $0.0e+00;
	[tilespmem:s16+$0x40] =	vst v10;
	v10 =	vld [tilespmem:s19+$0xFFFFFFF0]  }
0x187: {  	[tilespmem:s16+$0xFFFFFF40] =	vst v12;
	v12 =	vld [tilespmem:s20+$0x50];
	v9 =	vadd.f32 v11, v9  }
0x188: {  	v11 =	vld [tilespmem:s20+$0xFFFFFF50]  }
0x189: {  	v9 =	vmax.f32 v9, $0.0e+00;
	v2 =	vadd.f32 v6, v2;
	v6 =	vld [tilespmem:s19+$0x70];
	s19 =	smov.u32 s20  }
0x18a: {  	v13 =	vadd.f32 v13, v14;
	[tilespmem:s16+$0xD0] =	vst v9;
	v9 =	vld [tilespmem:s16+$0xE0]  }
0x18b: {  	v14 =	vld [tilespmem:s20+$0xE0];
	v15 =	vmax.f32 v2, $0.0e+00;
	v10 =	vadd.f32 v10, v1  }
0x18c: {  	v2 =	vld [tilespmem:s16+$0xFFFFFF70];
	v1 =	vmax.f32 v13, $0.0e+00;
	v12 =	vadd.f32 v12, v7;
	[tilespmem:s10+$0xFFFFFF70] =	vst v15  }
0x18d: {  	v8 =	vadd.f32 v11, v8;
	[tilespmem:s16+$0xFFFFFFD0] =	vst v1;
	v1 =	vld [tilespmem:s16+$0xFFFFFFF0];
	v10 =	vmax.f32 v10, $0.0e+00  }
.Ltmp6:
0x18e: {  	v7 =	vld [tilespmem:s20+$0xFFFFFFE0];
	v11 =	vmax.f32 v12, $0.0e+00;
	[tilespmem:s10+$0xFFFFFFF0] =	vst v10;
	v6 =	vadd.f32 v6, v0;
	(pc) =	sbr.rel @p0 .LBB2_10-.Ltmp6, $4  }
0x18f: {  	v8 =	vmax.f32 v8, $0.0e+00;
	[tilespmem:s16+$0x50] =	vst v11;
	v0 =	vld [tilespmem:s16+$0x70]  }
0x190: {  	[tilespmem:s16+$0xFFFFFF50] =	vst v8;
	v8 =	vld [tilespmem:s20+$0x60];
	v10 =	vadd.f32 v14, v9;
	v6 =	vmax.f32 v6, $0.0e+00  }
0x191: {  	v9 =	vld [tilespmem:s20+$0xFFFFFF60];
	[tilespmem:s10+$0x70] =	vst v6;
	s10 =	smov.u32 s16  }
0x192: {  	s16 =	sadd.s32 $0x200, s16;
	v10 =	vmax.f32 v10, $0.0e+00;
	v6 =	vld [tilespmem:s10+$0xF0]  }
0x193: {  	_ = 	snop  }
0x194: {  	v4 =	vadd.f32 v7, v4  }
0x195: {  	v5 =	vadd.f32 v8, v5  }
0x196: {  	[tilespmem:s10+$0xE0] =	vst v10;
	v4 =	vmax.f32 v4, $0.0e+00;
	v3 =	vadd.f32 v9, v3  }
0x197: {  	v57 =	vld [tilespmem:s19+$0xF0];
	[tilespmem:s10+$0xFFFFFFE0] =	vst v4;
	v58 =	vmax.f32 v5, $0.0e+00  }
0x198: {  	v60 =	vld [tilespmem:s19+$0xFFFFFFF0];
	v3 =	vmax.f32 v3, $0.0e+00;
	[tilespmem:s10+$0x60] =	vst v58  }
0x199: {  	[tilespmem:s10+$0xFFFFFF60] =	vst v3;
	v61 =	vld [tilespmem:s19+$0x70]  }
0x19a: {  	v59 =	vld [tilespmem:s19+$0xFFFFFF70];
	_ =	sdelay $0x1  }
0x19b: {  	v6 =	vadd.f32 v57, v6  }
0x19c: {  	v1 =	vadd.f32 v60, v1  }
0x19d: {  	v62 =	vmax.f32 v6, $0.0e+00;
	v0 =	vadd.f32 v61, v0  }
0x19e: {  	[tilespmem:s10+$0xF0] =	vst v62;
	v1 =	vmax.f32 v1, $0.0e+00;
	v2 =	vadd.f32 v59, v2  }
0x19f: {  	[tilespmem:s10+$0xFFFFFFF0] =	vst v1;
	v0 =	vmax.f32 v0, $0.0e+00  }
0x1a0: {  	v2 =	vmax.f32 v2, $0.0e+00;
	[tilespmem:s10+$0x70] =	vst v0  }
0x1a1: {  	[tilespmem:s10+$0xFFFFFF70] =	vst v2  }
0x1a2: {  	v0 =	vld [tilespmem:$0x100]  }
0x1a3: {  	v1 =	vld [tilespmem:$0x110]  }
0x1a4: {  	v2 =	vld [tilespmem:$0x120]  }
0x1a5: {  	v63 =	vld [tilespmem:$0x130]  }
0x1a6: {  	v4 =	vld [tilespmem:$0x140]  }
0x1a7: {  	p0 =	seq.s32 s24, $0x3E;
	[tilespmem:$0x200] =	vst v0  }
.Ltmp7:
0x1a8: {  	[tilespmem:$0x210] =	vst v1;
	(pc) =	sbr.rel @p0 .LBB2_13-.Ltmp7, $4  }
0x1a9: {  	[tilespmem:$0x220] =	vst v2  }
0x1aa: {  	[tilespmem:$0x230] =	vst v63  }
0x1ab: {  	[tilespmem:$0x240] =	vst v4  }
0x1ac: {  	[spmem:s3] =	stream.indirect.scatter.add.f32 [tilespmem:s0], [sflag:$0x9], $0x80, s12, s31, $0xb8;
	[tilespmem:$0x1E300] =	vst v63  }
0x1ad: {  	s10 =	smul.u32 $0xA0, s24;
	_ =	sdelay $0x1  }
0x1ae: {  	s10 =	sadd.s32 s10, s17  }
0x1af: {  	s16 =	sshrl.u32 s10, $0x3  }
0x1b0: {  	s18 =	sadd.s32 s1, s16  }
0x1b1: {  	[tilespmem:s4], [sflag:$0x1] =	stream.linear.gather [hbm4b:s18+s4], $0x50, $0x38;
	[tilespmem:$0x1E300] =	vst v63  }
.Ltmp8:
0x1b2: {  	_ = 	snop;
	(pc) =	sbr.rel .LBB2_2-.Ltmp8, $4  }
0x1b3: {  	s10 =	sshll.u32 s10, $0x4;
	s16 =	sadd.s32 s6, s16  }
0x1b4: {  	[tilespmem:s21], [sflag:$0x3] =	stream.linear.gather [hbm4b:s16+s4], $0x50, $0x38;
	[tilespmem:$0x1E300] =	vst v63  }
0x1b5: {  	s24 =	sadd.s32 $0x1, s24;
	s10 =	sadd.s32 s7, s10  }
0x1b6: {  	[tilespmem:s22], [sflag:$0x5] =	stream.linear.gather [hbm4b:s10+s4], $0x2800, $0x38;
	[tilespmem:$0x1E300] =	vst v63  }
.LBB2_14:
0x1b7: {  	_ =	sfence.sel $0x180000  }
0x1b8: {  	[bflag:$0x0] =	sbarrier.arrive $0xFFFF  }
0x1b9: {  	_ =	strace $0x90000047  }
0x1ba: {  	s0 =	stileid.u32;
	[bflag:$0x2] =	sbarrier.arrive $0xFFFF  }
0x1bb: {  	p0 =	sne.s32 s0, $0x0;
	s0 =	rddreg [dreg:$0x3]  }
0x1bc: {  	s0 =	sadd.s32 @!p0 $0x100000, s0  }
0x1bd: {  	[sflag:s0] =	ssyncadd.tile.s32 @!p0 $0x1;
	_ =	shalt  }
.Lfunc_end2:
_tile_overlayer_lowered:
.L_overlay_start_2:
0x1be: {  	(tag) =	ssettag $0x2  }
0x1bf: {  	s0 =	rddreg [dreg:$0x0];
	s2 =	stileid.u32  }
0x1c0: {  	s1 =	rddreg [dreg:$0x1];
	p0 =	sne.s32 s2, $0x0  }
0x1c1: {  	s3 =	rddreg [dreg:$0x2];
	[bflag:$0x3] =	sbarrier.arrive $0xFFFF;
	s2 =	simm.s32 @!p0 $0x1C0B  }
0x1c2: {  	[timem:s3], [sflag:s2] =	dma.local @!p0 [hbm:s0], s1  }
0x1c3: {  	s0 =	simm.s32 @!p0 $0xB  }
0x1c4: {  	_ =	swait.ge @!p0 [sflag:s0], s1  }
0x1c5: {  	s1 =	ssub.s32 @!p0 $0x0, s1;
	[sflag:s0] =	ssyncset.done @!p0 $0x0  }
0x1c6: {  	[sflag:s0] =	ssyncadd.s32 @!p0 s1  }
0x1c7: {  	[bflag:$0x3] =	sbarrier.arrive $0xFFFF  }
0x1c8: {  	_ =	shalt  }

</sc_bundles>
